<compile_context>
chip_gen: v7x
topology: tpu7x:2x2x1
jax: 0.10.2.dev20260603
libtpu: 0.0.44.dev20260713+nightly
codegen_flags: <defaults>
</compile_context>

<pallas_src>
import functools

import jax
import jax.numpy as jnp
from jax import lax
from jax.experimental import pallas as pl
from jax.experimental.pallas import tpu as pltpu
from jax.experimental.pallas import tpu_sc as plsc

NT = 1024
NH = 512
QCHUNK = 32


def _nn_half(u, kk):
    m = kk.shape[1]
    un = jnp.sum(u * u, axis=1, keepdims=True)
    e = (-2.0 * u[:, 0])[:, None] * kk[0][None, :]
    e = e + (-2.0 * u[:, 1])[:, None] * kk[1][None, :]
    e = e + ((-2.0 * u[:, 2])[:, None] * kk[2][None, :] + kk[3][None, :])

    inf = jnp.float32(jnp.inf)
    colid = jax.lax.broadcasted_iota(jnp.int32, (NH, m), 1)
    idxs = []
    recips = []
    for t in range(3):
        mn = jnp.min(e, axis=1, keepdims=True)
        sel = e == mn
        amin = jnp.min(jnp.where(sel, colid, m), axis=1, keepdims=True)
        if t < 2:
            e = jnp.where(sel, inf, e)
        idxs.append(amin)
        recips.append(jax.lax.rsqrt(jnp.maximum(mn + un, 1e-24)))

    wsum = recips[0] + recips[1] + recips[2]
    w = jnp.concatenate(
        recips + [jnp.zeros((NH, 13), jnp.float32)], axis=1
    ) / wsum
    gi = jnp.concatenate(idxs, axis=1)
    return gi, w


def _nn_body(u_ref, k_ref, idx_ref, w_ref):
    b = pl.program_id(0)
    kk = k_ref[0]
    m = kk.shape[1]
    for h in range(2):
        gi, w = _nn_half(u_ref[0, h * NH:(h + 1) * NH], kk)
        idx_ref[0, h * NH:(h + 1) * NH] = gi + b * m
        w_ref[0, h * NH:(h + 1) * NH] = w


def _nn(unknown, known):
    B, n, _ = unknown.shape
    _, m, _ = known.shape
    kt = known.transpose(0, 2, 1)
    kn = jnp.sum(known * known, axis=2)[:, None, :]
    k = jnp.concatenate([kt, kn, jnp.zeros((B, 4, m), jnp.float32)], axis=1)
    return pl.pallas_call(
        _nn_body,
        grid=(B, n // NT),
        in_specs=[
            pl.BlockSpec((1, NT, 3), lambda b, i: (b, i, 0)),
            pl.BlockSpec((1, 8, m), lambda b, i: (b, 0, 0)),
        ],
        out_specs=[
            pl.BlockSpec((1, NT, 3), lambda b, i: (b, i, 0)),
            pl.BlockSpec((1, NT, 16), lambda b, i: (b, i, 0)),
        ],
        out_shape=[
            jax.ShapeDtypeStruct((B, n, 3), jnp.int32),
            jax.ShapeDtypeStruct((B, n, 16), jnp.float32),
        ],
    )(unknown, k)


def _interp(table, idx_flat, w_flat, total_q):
    C = table.shape[1]
    info = plsc.get_sparse_core_info()
    nw = info.num_cores * info.num_subcores
    qpw = total_q // nw
    nchunks = qpw // QCHUNK
    mesh = plsc.VectorSubcoreMesh(core_axis_name="c", subcore_axis_name="s")

    @functools.partial(
        pl.kernel,
        mesh=mesh,
        out_type=jax.ShapeDtypeStruct((total_q, C), jnp.float32),
        scratch_types=[
            pltpu.VMEM((3 * QCHUNK,), jnp.int32),
            pltpu.VMEM((16 * QCHUNK,), jnp.float32),
            pltpu.VMEM((3 * QCHUNK, C), jnp.float32),
            pltpu.VMEM((QCHUNK, C), jnp.float32),
            pltpu.SemaphoreType.DMA,
        ],
    )
    def k(table_hbm, idx_hbm, w_hbm, out_hbm, idx_v, w_v, rows_v, out_v, sem):
        wid = lax.axis_index("s") * info.num_cores + lax.axis_index("c")
        qbase = wid * qpw

        def chunk_body(ci, _):
            q0 = qbase + ci * QCHUNK
            pltpu.sync_copy(idx_hbm.at[pl.ds(q0 * 3, 3 * QCHUNK)], idx_v)
            pltpu.sync_copy(w_hbm.at[pl.ds(q0 * 16, 16 * QCHUNK)], w_v)
            pltpu.async_copy(table_hbm.at[idx_v], rows_v, sem).wait()

            def q_body(q, _):
                wvec = w_v[pl.ds(q * 16, 16)]
                w0 = wvec[0]
                w1 = wvec[1]
                w2 = wvec[2]
                for j in range(C // 16):
                    sl = pl.ds(j * 16, 16)
                    acc = (
                        w0 * rows_v[3 * q, sl]
                        + w1 * rows_v[3 * q + 1, sl]
                        + w2 * rows_v[3 * q + 2, sl]
                    )
                    out_v[q, sl] = acc
                return 0

            lax.fori_loop(0, QCHUNK, q_body, 0)
            pltpu.sync_copy(out_v, out_hbm.at[pl.ds(q0, QCHUNK)])
            return 0

        lax.fori_loop(0, nchunks, chunk_body, 0)

    return k(table, idx_flat, w_flat)


def kernel(unknown, known, known_feats):
    B, n, _ = unknown.shape
    _, m, _ = known.shape
    C = known_feats.shape[1]

    idx, w = _nn(unknown, known)
    table = known_feats.transpose(0, 2, 1).reshape(B * m, C)
    out_t = _interp(table, idx.reshape(-1), w.reshape(-1), B * n)
    return out_t.reshape(B, n, C).transpose(0, 2, 1)

# --- scband reference (transcript-rebuilt; emitter-appended) ---
"""Pipeline reference for scband-trilinear-interpolate-26225070309540 (READ-ONLY COPY).

The authoritative reference and input builder live on the scoring server;
editing this copy changes nothing except your own understanding.
"""

import jax, jax.numpy as jnp
import numpy as np


def setup_inputs(seed: int = 0) -> dict:
    key = jax.random.key(seed)
    k1, k2, k3 = jax.random.split(key, 3)
    unknown = jax.random.normal(k1, (8, 4096, 3), dtype=jnp.float32)
    known = jax.random.normal(k2, (8, 1024, 3), dtype=jnp.float32)
    known_feats = jax.random.normal(k3, (8, 256, 1024), dtype=jnp.float32)
    return {"unknown": unknown, "known": known, "known_feats": known_feats}


def reference(unknown, known, known_feats):
    # three_nn: squared L2 distances between every unknown point and every known point
    # unknown: (B, n, 3), known: (B, m, 3)
    d2 = jnp.sum((unknown[:, :, None, :] - known[:, None, :, :]) ** 2, axis=-1)  # (B, n, m)
    # 3 nearest neighbors (smallest distance) -> top_k on negated distances
    neg_d2, idx = jax.lax.top_k(-d2, 3)  # (B, n, 3), (B, n, 3)
    dist = jnp.sqrt(jnp.maximum(-neg_d2, 0.0))  # (B, n, 3)
    # inverse-distance weights (normalized), matching TrilinearInterpolate.forward
    dist_recip = 1.0 / (dist + 1e-08)
    norm = jnp.sum(dist_recip, axis=2, keepdims=True)
    weight = dist_recip / norm  # (B, n, 3)
    # three_interpolate: gather known_feats (B, C, m) at idx and weighted-sum
    # gathered: (B, C, n, 3)
    gathered = jnp.take_along_axis(known_feats[:, :, None, :], idx[:, None, :, :], axis=3)
    new_features = jnp.sum(gathered * weight[:, None, :, :], axis=-1)  # (B, C, n)
    return new_features

if __name__ == "__main__":
    import jax
    _d = setup_inputs()
    print(jax.jit(kernel)(*tuple(_d.values())))

</pallas_src>

<mosaic_0001>
#map = affine_map<(d0, d1) -> (0, 0)>
#map1 = affine_map<(d0, d1) -> (0)>
module attributes {stable_mosaic.version = 14 : i64} {
  func.func @k(%arg0: i32, %arg1: i32, %arg2: memref<8192x256xf32, #tpu.memory_space<hbm>>, %arg3: memref<98304xi32, #tpu.memory_space<hbm>>, %arg4: memref<524288xf32, #tpu.memory_space<hbm>>, %arg5: memref<32768x256xf32, #tpu.memory_space<hbm>>, %arg6: memref<96xi32, #tpu.memory_space<vmem>>, %arg7: memref<512xf32, #tpu.memory_space<vmem>>, %arg8: memref<96x256xf32, #tpu.memory_space<vmem>>, %arg9: memref<32x256xf32, #tpu.memory_space<vmem>>, %arg10: memref<!tpu.dma_semaphore, #tpu.memory_space<semaphore_mem>>) attributes {dimension_semantics = [#tpu.dimension_semantics<core_parallel>, #tpu.dimension_semantics<subcore_parallel>], iteration_bounds = array<i64: 2, 16>, scalar_prefetch = 0 : i64, scratch_operands = 5 : i64, tpu.core_type = #tpu.core_type<sc_vector_subcore>, window_params = [{transform_indices = #map}, {transform_indices = #map1}, {transform_indices = #map1}, {transform_indices = #map}]} {
    %mul3A = arith.constant 2 : i32
    %mul3A_0 = arith.muli %arg1, %mul3A : i32
    %add3A = arith.addi %mul3A_0, %arg0 : i32
    %mul3A_1 = arith.constant 1024 : i32
    %mul3A_2 = arith.muli %add3A, %mul3A_1 : i32
    %scan3A = arith.constant 0 : i32
    %scan3A_3 = arith.constant 0 : i32
    %scan3A_4 = arith.constant 32 : i32
    %scan3A_5 = arith.addi %scan3A_3, %scan3A_4 : i32
    %scan3A_6 = arith.constant 1 : i32
    %scan3A_7 = scf.for %scan3A_9 = %scan3A_3 to %scan3A_5 step %scan3A_6 iter_args(%scan3A_10 = %scan3A) -> (i32)  : i32 {
      %mul3A_11 = arith.constant 32 : i32
      %mul3A_12 = arith.muli %scan3A_9, %mul3A_11 : i32
      %add3A_13 = arith.addi %mul3A_2, %mul3A_12 : i32
      %mul3A_14 = arith.constant 3 : i32
      %mul3A_15 = arith.muli %add3A_13, %mul3A_14 : i32
      "tpu.region"() ({
        %run_scoped3A = tpu.sem_alloc : memref<!tpu.dma_semaphore, #tpu.memory_space<semaphore_mem>>
        %dma_start3A_30 = tpu.memref_slice %arg3[%mul3A_15] : memref<98304xi32, #tpu.memory_space<hbm>> -> memref<96xi32, #tpu.memory_space<hbm>>
        %dma_start3A_31 = tpu.memref_slice %arg3[%mul3A_15] : memref<98304xi32, #tpu.memory_space<hbm>> -> memref<96xi32, #tpu.memory_space<hbm>>
        tpu.enqueue_dma source(%dma_start3A_31 : memref<96xi32, #tpu.memory_space<hbm>>) target(%arg6 : memref<96xi32, #tpu.memory_space<vmem>>) target_semaphore(%run_scoped3A : memref<!tpu.dma_semaphore, #tpu.memory_space<semaphore_mem>>)
        %dma_wait3A_32 = tpu.memref_slice %arg3[%mul3A_15] : memref<98304xi32, #tpu.memory_space<hbm>> -> memref<96xi32, #tpu.memory_space<hbm>>
        %dma_wait3A_33 = tpu.memref_slice %arg3[%mul3A_15] : memref<98304xi32, #tpu.memory_space<hbm>> -> memref<96xi32, #tpu.memory_space<hbm>>
        tpu.wait_dma2 semaphore(%run_scoped3A : memref<!tpu.dma_semaphore, #tpu.memory_space<semaphore_mem>>) src(%dma_wait3A_33 : memref<96xi32, #tpu.memory_space<hbm>>) dst(%arg6 : memref<96xi32, #tpu.memory_space<vmem>>)
        tpu.yield
      }) : () -> ()
      %mul3A_16 = arith.constant 16 : i32
      %mul3A_17 = arith.muli %add3A_13, %mul3A_16 : i32
      "tpu.region"() ({
        %run_scoped3A = tpu.sem_alloc : memref<!tpu.dma_semaphore, #tpu.memory_space<semaphore_mem>>
        %dma_start3A_30 = tpu.memref_slice %arg4[%mul3A_17] : memref<524288xf32, #tpu.memory_space<hbm>> -> memref<512xf32, #tpu.memory_space<hbm>>
        %dma_start3A_31 = tpu.memref_slice %arg4[%mul3A_17] : memref<524288xf32, #tpu.memory_space<hbm>> -> memref<512xf32, #tpu.memory_space<hbm>>
        tpu.enqueue_dma source(%dma_start3A_31 : memref<512xf32, #tpu.memory_space<hbm>>) target(%arg7 : memref<512xf32, #tpu.memory_space<vmem>>) target_semaphore(%run_scoped3A : memref<!tpu.dma_semaphore, #tpu.memory_space<semaphore_mem>>)
        %dma_wait3A_32 = tpu.memref_slice %arg4[%mul3A_17] : memref<524288xf32, #tpu.memory_space<hbm>> -> memref<512xf32, #tpu.memory_space<hbm>>
        %dma_wait3A_33 = tpu.memref_slice %arg4[%mul3A_17] : memref<524288xf32, #tpu.memory_space<hbm>> -> memref<512xf32, #tpu.memory_space<hbm>>
        tpu.wait_dma2 semaphore(%run_scoped3A : memref<!tpu.dma_semaphore, #tpu.memory_space<semaphore_mem>>) src(%dma_wait3A_33 : memref<512xf32, #tpu.memory_space<hbm>>) dst(%arg7 : memref<512xf32, #tpu.memory_space<vmem>>)
        tpu.yield
      }) : () -> ()
      %dma_start3A = arith.constant 0 : i32
      %dma_start3A_18 = arith.constant 0 : i32
      %dma_start3A_19 = tpu.memref_slice %arg2[%dma_start3A, %dma_start3A_18] : memref<8192x256xf32, #tpu.memory_space<hbm>> -> memref<8192x256xf32, #tpu.memory_space<hbm>>
      tpu.enqueue_indirect_dma source(%dma_start3A_19 : memref<8192x256xf32, #tpu.memory_space<hbm>>) target(%arg8 : memref<96x256xf32, #tpu.memory_space<vmem>>) offsets(%arg6 : memref<96xi32, #tpu.memory_space<vmem>>) semaphore(%arg10 : memref<!tpu.dma_semaphore, #tpu.memory_space<semaphore_mem>>)
      %dma_wait3A = arith.constant 0 : i32
      %dma_wait3A_20 = arith.constant 0 : i32
      %dma_wait3A_21 = tpu.memref_slice %arg2[%dma_wait3A, %dma_wait3A_20] : memref<8192x256xf32, #tpu.memory_space<hbm>> -> memref<8192x256xf32, #tpu.memory_space<hbm>>
      tpu.wait_indirect_dma semaphore(%arg10 : memref<!tpu.dma_semaphore, #tpu.memory_space<semaphore_mem>>) src(%dma_wait3A_21 : memref<8192x256xf32, #tpu.memory_space<hbm>>) dst(%arg8 : memref<96x256xf32, #tpu.memory_space<vmem>>)
      %scan3A_22 = arith.constant 0 : i32
      %scan3A_23 = arith.constant 0 : i32
      %scan3A_24 = arith.constant 32 : i32
      %scan3A_25 = arith.addi %scan3A_23, %scan3A_24 : i32
      %scan3A_26 = arith.constant 1 : i32
      %scan3A_27 = scf.for %scan3A_30 = %scan3A_23 to %scan3A_25 step %scan3A_26 iter_args(%scan3A_31 = %scan3A_22) -> (i32)  : i32 {
        %mul3A_32 = arith.constant 16 : i32
        %mul3A_33 = arith.muli %scan3A_30, %mul3A_32 : i32
        %get3A = arith.index_cast %mul3A_33 : i32 to index
        %get3A_34 = tpu.vector_load %arg7[%get3A] {strides = array<i32>} : memref<512xf32, #tpu.memory_space<vmem>>, vector<16xf32>,
        %get3A_35 = vector.shape_cast %get3A_34 : vector<16xf32> to vector<16xf32>
        %slice3A = vector.extract_strided_slice %get3A_35 {offsets = [0], sizes = [1], strides = [1]} : vector<16xf32> to vector<1xf32>
        %squeeze3A = vector.extract %slice3A[0] : f32 from vector<1xf32>
        %slice3A_36 = vector.extract_strided_slice %get3A_35 {offsets = [1], sizes = [1], strides = [1]} : vector<16xf32> to vector<1xf32>
        %squeeze3A_37 = vector.extract %slice3A_36[0] : f32 from vector<1xf32>
        %slice3A_38 = vector.extract_strided_slice %get3A_35 {offsets = [2], sizes = [1], strides = [1]} : vector<16xf32> to vector<1xf32>
        %squeeze3A_39 = vector.extract %slice3A_38[0] : f32 from vector<1xf32>
        %mul3A_40 = arith.constant 3 : i32
        %mul3A_41 = arith.muli %mul3A_40, %scan3A_30 : i32
        %get3A_42 = arith.index_cast %mul3A_41 : i32 to index
        %get3A_43 = arith.constant 0 : index
        %get3A_44 = tpu.vector_load %arg8[%get3A_42, %get3A_43] {strides = array<i32>} : memref<96x256xf32, #tpu.memory_space<vmem>>, vector<1x16xf32>,
        %get3A_45 = vector.shape_cast %get3A_44 : vector<1x16xf32> to vector<16xf32>
        %mul3A_46 = vector.broadcast %squeeze3A : f32 to vector<16xf32>
        %mul3A_47 = arith.mulf %mul3A_46, %get3A_45 : vector<16xf32>
        %mul3A_48 = arith.constant 3 : i32
        %mul3A_49 = arith.muli %mul3A_48, %scan3A_30 : i32
        %add3A_50 = arith.constant 1 : i32
        %add3A_51 = arith.addi %mul3A_49, %add3A_50 : i32
        %get3A_52 = arith.index_cast %add3A_51 : i32 to index
        %get3A_53 = arith.constant 0 : index
        %get3A_54 = tpu.vector_load %arg8[%get3A_52, %get3A_53] {strides = array<i32>} : memref<96x256xf32, #tpu.memory_space<vmem>>, vector<1x16xf32>,
        %get3A_55 = vector.shape_cast %get3A_54 : vector<1x16xf32> to vector<16xf32>
        %mul3A_56 = vector.broadcast %squeeze3A_37 : f32 to vector<16xf32>
        %mul3A_57 = arith.mulf %mul3A_56, %get3A_55 : vector<16xf32>
        %add3A_58 = arith.addf %mul3A_47, %mul3A_57 : vector<16xf32>
        %mul3A_59 = arith.constant 3 : i32
        %mul3A_60 = arith.muli %mul3A_59, %scan3A_30 : i32
        %add3A_61 = arith.constant 2 : i32
        %add3A_62 = arith.addi %mul3A_60, %add3A_61 : i32
        %get3A_63 = arith.index_cast %add3A_62 : i32 to index
        %get3A_64 = arith.constant 0 : index
        %get3A_65 = tpu.vector_load %arg8[%get3A_63, %get3A_64] {strides = array<i32>} : memref<96x256xf32, #tpu.memory_space<vmem>>, vector<1x16xf32>,
        %get3A_66 = vector.shape_cast %get3A_65 : vector<1x16xf32> to vector<16xf32>
        %mul3A_67 = vector.broadcast %squeeze3A_39 : f32 to vector<16xf32>
        %mul3A_68 = arith.mulf %mul3A_67, %get3A_66 : vector<16xf32>
        %add3A_69 = arith.addf %add3A_58, %mul3A_68 : vector<16xf32>
        %swap3A = arith.index_cast %scan3A_30 : i32 to index
        %swap3A_70 = arith.constant 0 : index
        %swap3A_71 = tpu.vector_load %arg9[%swap3A, %swap3A_70] {strides = array<i32>} : memref<32x256xf32, #tpu.memory_space<vmem>>, vector<1x16xf32>,
        %swap3A_72 = vector.shape_cast %swap3A_71 : vector<1x16xf32> to vector<16xf32>
        %swap3A_73 = vector.shape_cast %add3A_69 : vector<16xf32> to vector<1x16xf32>
        tpu.vector_store %arg9[%swap3A, %swap3A_70], %swap3A_73 {strides = array<i32>} : memref<32x256xf32, #tpu.memory_space<vmem>>, vector<1x16xf32>,
        %mul3A_74 = arith.constant 3 : i32
        %mul3A_75 = arith.muli %mul3A_74, %scan3A_30 : i32
        %get3A_76 = arith.index_cast %mul3A_75 : i32 to index
        %get3A_77 = arith.constant 16 : index
        %get3A_78 = tpu.vector_load %arg8[%get3A_76, %get3A_77] {strides = array<i32>} : memref<96x256xf32, #tpu.memory_space<vmem>>, vector<1x16xf32>,
        %get3A_79 = vector.shape_cast %get3A_78 : vector<1x16xf32> to vector<16xf32>
        %mul3A_80 = vector.broadcast %squeeze3A : f32 to vector<16xf32>
        %mul3A_81 = arith.mulf %mul3A_80, %get3A_79 : vector<16xf32>
        %mul3A_82 = arith.constant 3 : i32
        %mul3A_83 = arith.muli %mul3A_82, %scan3A_30 : i32
        %add3A_84 = arith.constant 1 : i32
        %add3A_85 = arith.addi %mul3A_83, %add3A_84 : i32
        %get3A_86 = arith.index_cast %add3A_85 : i32 to index
        %get3A_87 = arith.constant 16 : index
        %get3A_88 = tpu.vector_load %arg8[%get3A_86, %get3A_87] {strides = array<i32>} : memref<96x256xf32, #tpu.memory_space<vmem>>, vector<1x16xf32>,
        %get3A_89 = vector.shape_cast %get3A_88 : vector<1x16xf32> to vector<16xf32>
        %mul3A_90 = vector.broadcast %squeeze3A_37 : f32 to vector<16xf32>
        %mul3A_91 = arith.mulf %mul3A_90, %get3A_89 : vector<16xf32>
        %add3A_92 = arith.addf %mul3A_81, %mul3A_91 : vector<16xf32>
        %mul3A_93 = arith.constant 3 : i32
        %mul3A_94 = arith.muli %mul3A_93, %scan3A_30 : i32
        %add3A_95 = arith.constant 2 : i32
        %add3A_96 = arith.addi %mul3A_94, %add3A_95 : i32
        %get3A_97 = arith.index_cast %add3A_96 : i32 to index
        %get3A_98 = arith.constant 16 : index
        %get3A_99 = tpu.vector_load %arg8[%get3A_97, %get3A_98] {strides = array<i32>} : memref<96x256xf32, #tpu.memory_space<vmem>>, vector<1x16xf32>,
        %get3A_100 = vector.shape_cast %get3A_99 : vector<1x16xf32> to vector<16xf32>
        %mul3A_101 = vector.broadcast %squeeze3A_39 : f32 to vector<16xf32>
        %mul3A_102 = arith.mulf %mul3A_101, %get3A_100 : vector<16xf32>
        %add3A_103 = arith.addf %add3A_92, %mul3A_102 : vector<16xf32>
        %swap3A_104 = arith.index_cast %scan3A_30 : i32 to index
        %swap3A_105 = arith.constant 16 : index
        %swap3A_106 = tpu.vector_load %arg9[%swap3A_104, %swap3A_105] {strides = array<i32>} : memref<32x256xf32, #tpu.memory_space<vmem>>, vector<1x16xf32>,
        %swap3A_107 = vector.shape_cast %swap3A_106 : vector<1x16xf32> to vector<16xf32>
        %swap3A_108 = vector.shape_cast %add3A_103 : vector<16xf32> to vector<1x16xf32>
        tpu.vector_store %arg9[%swap3A_104, %swap3A_105], %swap3A_108 {strides = array<i32>} : memref<32x256xf32, #tpu.memory_space<vmem>>, vector<1x16xf32>,
        %mul3A_109 = arith.constant 3 : i32
        %mul3A_110 = arith.muli %mul3A_109, %scan3A_30 : i32
        %get3A_111 = arith.index_cast %mul3A_110 : i32 to index
        %get3A_112 = arith.constant 32 : index
        %get3A_113 = tpu.vector_load %arg8[%get3A_111, %get3A_112] {strides = array<i32>} : memref<96x256xf32, #tpu.memory_space<vmem>>, vector<1x16xf32>,
        %get3A_114 = vector.shape_cast %get3A_113 : vector<1x16xf32> to vector<16xf32>
        %mul3A_115 = vector.broadcast %squeeze3A : f32 to vector<16xf32>
        %mul3A_116 = arith.mulf %mul3A_115, %get3A_114 : vector<16xf32>
        %mul3A_117 = arith.constant 3 : i32
        %mul3A_118 = arith.muli %mul3A_117, %scan3A_30 : i32
        %add3A_119 = arith.constant 1 : i32
        %add3A_120 = arith.addi %mul3A_118, %add3A_119 : i32
        %get3A_121 = arith.index_cast %add3A_120 : i32 to index
        %get3A_122 = arith.constant 32 : index
        %get3A_123 = tpu.vector_load %arg8[%get3A_121, %get3A_122] {strides = array<i32>} : memref<96x256xf32, #tpu.memory_space<vmem>>, vector<1x16xf32>,
        %get3A_124 = vector.shape_cast %get3A_123 : vector<1x16xf32> to vector<16xf32>
        %mul3A_125 = vector.broadcast %squeeze3A_37 : f32 to vector<16xf32>
        %mul3A_126 = arith.mulf %mul3A_125, %get3A_124 : vector<16xf32>
        %add3A_127 = arith.addf %mul3A_116, %mul3A_126 : vector<16xf32>
        %mul3A_128 = arith.constant 3 : i32
        %mul3A_129 = arith.muli %mul3A_128, %scan3A_30 : i32
        %add3A_130 = arith.constant 2 : i32
        %add3A_131 = arith.addi %mul3A_129, %add3A_130 : i32
        %get3A_132 = arith.index_cast %add3A_131 : i32 to index
        %get3A_133 = arith.constant 32 : index
        %get3A_134 = tpu.vector_load %arg8[%get3A_132, %get3A_133] {strides = array<i32>} : memref<96x256xf32, #tpu.memory_space<vmem>>, vector<1x16xf32>,
        %get3A_135 = vector.shape_cast %get3A_134 : vector<1x16xf32> to vector<16xf32>
        %mul3A_136 = vector.broadcast %squeeze3A_39 : f32 to vector<16xf32>
        %mul3A_137 = arith.mulf %mul3A_136, %get3A_135 : vector<16xf32>
        %add3A_138 = arith.addf %add3A_127, %mul3A_137 : vector<16xf32>
        %swap3A_139 = arith.index_cast %scan3A_30 : i32 to index
        %swap3A_140 = arith.constant 32 : index
        %swap3A_141 = tpu.vector_load %arg9[%swap3A_139, %swap3A_140] {strides = array<i32>} : memref<32x256xf32, #tpu.memory_space<vmem>>, vector<1x16xf32>,
        %swap3A_142 = vector.shape_cast %swap3A_141 : vector<1x16xf32> to vector<16xf32>
        %swap3A_143 = vector.shape_cast %add3A_138 : vector<16xf32> to vector<1x16xf32>
        tpu.vector_store %arg9[%swap3A_139, %swap3A_140], %swap3A_143 {strides = array<i32>} : memref<32x256xf32, #tpu.memory_space<vmem>>, vector<1x16xf32>,
        %mul3A_144 = arith.constant 3 : i32
        %mul3A_145 = arith.muli %mul3A_144, %scan3A_30 : i32
        %get3A_146 = arith.index_cast %mul3A_145 : i32 to index
        %get3A_147 = arith.constant 48 : index
        %get3A_148 = tpu.vector_load %arg8[%get3A_146, %get3A_147] {strides = array<i32>} : memref<96x256xf32, #tpu.memory_space<vmem>>, vector<1x16xf32>,
        %get3A_149 = vector.shape_cast %get3A_148 : vector<1x16xf32> to vector<16xf32>
        %mul3A_150 = vector.broadcast %squeeze3A : f32 to vector<16xf32>
        %mul3A_151 = arith.mulf %mul3A_150, %get3A_149 : vector<16xf32>
        %mul3A_152 = arith.constant 3 : i32
        %mul3A_153 = arith.muli %mul3A_152, %scan3A_30 : i32
        %add3A_154 = arith.constant 1 : i32
        %add3A_155 = arith.addi %mul3A_153, %add3A_154 : i32
        %get3A_156 = arith.index_cast %add3A_155 : i32 to index
        %get3A_157 = arith.constant 48 : index
        %get3A_158 = tpu.vector_load %arg8[%get3A_156, %get3A_157] {strides = array<i32>} : memref<96x256xf32, #tpu.memory_space<vmem>>, vector<1x16xf32>,
        %get3A_159 = vector.shape_cast %get3A_158 : vector<1x16xf32> to vector<16xf32>
        %mul3A_160 = vector.broadcast %squeeze3A_37 : f32 to vector<16xf32>
        %mul3A_161 = arith.mulf %mul3A_160, %get3A_159 : vector<16xf32>
        %add3A_162 = arith.addf %mul3A_151, %mul3A_161 : vector<16xf32>
        %mul3A_163 = arith.constant 3 : i32
        %mul3A_164 = arith.muli %mul3A_163, %scan3A_30 : i32
        %add3A_165 = arith.constant 2 : i32
        %add3A_166 = arith.addi %mul3A_164, %add3A_165 : i32
        %get3A_167 = arith.index_cast %add3A_166 : i32 to index
        %get3A_168 = arith.constant 48 : index
        %get3A_169 = tpu.vector_load %arg8[%get3A_167, %get3A_168] {strides = array<i32>} : memref<96x256xf32, #tpu.memory_space<vmem>>, vector<1x16xf32>,
        %get3A_170 = vector.shape_cast %get3A_169 : vector<1x16xf32> to vector<16xf32>
        %mul3A_171 = vector.broadcast %squeeze3A_39 : f32 to vector<16xf32>
        %mul3A_172 = arith.mulf %mul3A_171, %get3A_170 : vector<16xf32>
        %add3A_173 = arith.addf %add3A_162, %mul3A_172 : vector<16xf32>
        %swap3A_174 = arith.index_cast %scan3A_30 : i32 to index
        %swap3A_175 = arith.constant 48 : index
        %swap3A_176 = tpu.vector_load %arg9[%swap3A_174, %swap3A_175] {strides = array<i32>} : memref<32x256xf32, #tpu.memory_space<vmem>>, vector<1x16xf32>,
        %swap3A_177 = vector.shape_cast %swap3A_176 : vector<1x16xf32> to vector<16xf32>
        %swap3A_178 = vector.shape_cast %add3A_173 : vector<16xf32> to vector<1x16xf32>
        tpu.vector_store %arg9[%swap3A_174, %swap3A_175], %swap3A_178 {strides = array<i32>} : memref<32x256xf32, #tpu.memory_space<vmem>>, vector<1x16xf32>,
        %mul3A_179 = arith.constant 3 : i32
        %mul3A_180 = arith.muli %mul3A_179, %scan3A_30 : i32
        %get3A_181 = arith.index_cast %mul3A_180 : i32 to index
        %get3A_182 = arith.constant 64 : index
        %get3A_183 = tpu.vector_load %arg8[%get3A_181, %get3A_182] {strides = array<i32>} : memref<96x256xf32, #tpu.memory_space<vmem>>, vector<1x16xf32>,
        %get3A_184 = vector.shape_cast %get3A_183 : vector<1x16xf32> to vector<16xf32>
        %mul3A_185 = vector.broadcast %squeeze3A : f32 to vector<16xf32>
        %mul3A_186 = arith.mulf %mul3A_185, %get3A_184 : vector<16xf32>
        %mul3A_187 = arith.constant 3 : i32
        %mul3A_188 = arith.muli %mul3A_187, %scan3A_30 : i32
        %add3A_189 = arith.constant 1 : i32
        %add3A_190 = arith.addi %mul3A_188, %add3A_189 : i32
        %get3A_191 = arith.index_cast %add3A_190 : i32 to index
        %get3A_192 = arith.constant 64 : index
        %get3A_193 = tpu.vector_load %arg8[%get3A_191, %get3A_192] {strides = array<i32>} : memref<96x256xf32, #tpu.memory_space<vmem>>, vector<1x16xf32>,
        %get3A_194 = vector.shape_cast %get3A_193 : vector<1x16xf32> to vector<16xf32>
        %mul3A_195 = vector.broadcast %squeeze3A_37 : f32 to vector<16xf32>
        %mul3A_196 = arith.mulf %mul3A_195, %get3A_194 : vector<16xf32>
        %add3A_197 = arith.addf %mul3A_186, %mul3A_196 : vector<16xf32>
        %mul3A_198 = arith.constant 3 : i32
        %mul3A_199 = arith.muli %mul3A_198, %scan3A_30 : i32
        %add3A_200 = arith.constant 2 : i32
        %add3A_201 = arith.addi %mul3A_199, %add3A_200 : i32
        %get3A_202 = arith.index_cast %add3A_201 : i32 to index
        %get3A_203 = arith.constant 64 : index
        %get3A_204 = tpu.vector_load %arg8[%get3A_202, %get3A_203] {strides = array<i32>} : memref<96x256xf32, #tpu.memory_space<vmem>>, vector<1x16xf32>,
        %get3A_205 = vector.shape_cast %get3A_204 : vector<1x16xf32> to vector<16xf32>
        %mul3A_206 = vector.broadcast %squeeze3A_39 : f32 to vector<16xf32>
        %mul3A_207 = arith.mulf %mul3A_206, %get3A_205 : vector<16xf32>
        %add3A_208 = arith.addf %add3A_197, %mul3A_207 : vector<16xf32>
        %swap3A_209 = arith.index_cast %scan3A_30 : i32 to index
        %swap3A_210 = arith.constant 64 : index
        %swap3A_211 = tpu.vector_load %arg9[%swap3A_209, %swap3A_210] {strides = array<i32>} : memref<32x256xf32, #tpu.memory_space<vmem>>, vector<1x16xf32>,
        %swap3A_212 = vector.shape_cast %swap3A_211 : vector<1x16xf32> to vector<16xf32>
        %swap3A_213 = vector.shape_cast %add3A_208 : vector<16xf32> to vector<1x16xf32>
        tpu.vector_store %arg9[%swap3A_209, %swap3A_210], %swap3A_213 {strides = array<i32>} : memref<32x256xf32, #tpu.memory_space<vmem>>, vector<1x16xf32>,
        %mul3A_214 = arith.constant 3 : i32
        %mul3A_215 = arith.muli %mul3A_214, %scan3A_30 : i32
        %get3A_216 = arith.index_cast %mul3A_215 : i32 to index
        %get3A_217 = arith.constant 80 : index
        %get3A_218 = tpu.vector_load %arg8[%get3A_216, %get3A_217] {strides = array<i32>} : memref<96x256xf32, #tpu.memory_space<vmem>>, vector<1x16xf32>,
        %get3A_219 = vector.shape_cast %get3A_218 : vector<1x16xf32> to vector<16xf32>
        %mul3A_220 = vector.broadcast %squeeze3A : f32 to vector<16xf32>
        %mul3A_221 = arith.mulf %mul3A_220, %get3A_219 : vector<16xf32>
        %mul3A_222 = arith.constant 3 : i32
        %mul3A_223 = arith.muli %mul3A_222, %scan3A_30 : i32
        %add3A_224 = arith.constant 1 : i32
        %add3A_225 = arith.addi %mul3A_223, %add3A_224 : i32
        %get3A_226 = arith.index_cast %add3A_225 : i32 to index
        %get3A_227 = arith.constant 80 : index
        %get3A_228 = tpu.vector_load %arg8[%get3A_226, %get3A_227] {strides = array<i32>} : memref<96x256xf32, #tpu.memory_space<vmem>>, vector<1x16xf32>,
        %get3A_229 = vector.shape_cast %get3A_228 : vector<1x16xf32> to vector<16xf32>
        %mul3A_230 = vector.broadcast %squeeze3A_37 : f32 to vector<16xf32>
        %mul3A_231 = arith.mulf %mul3A_230, %get3A_229 : vector<16xf32>
        %add3A_232 = arith.addf %mul3A_221, %mul3A_231 : vector<16xf32>
        %mul3A_233 = arith.constant 3 : i32
        %mul3A_234 = arith.muli %mul3A_233, %scan3A_30 : i32
        %add3A_235 = arith.constant 2 : i32
        %add3A_236 = arith.addi %mul3A_234, %add3A_235 : i32
        %get3A_237 = arith.index_cast %add3A_236 : i32 to index
        %get3A_238 = arith.constant 80 : index
        %get3A_239 = tpu.vector_load %arg8[%get3A_237, %get3A_238] {strides = array<i32>} : memref<96x256xf32, #tpu.memory_space<vmem>>, vector<1x16xf32>,
        %get3A_240 = vector.shape_cast %get3A_239 : vector<1x16xf32> to vector<16xf32>
        %mul3A_241 = vector.broadcast %squeeze3A_39 : f32 to vector<16xf32>
        %mul3A_242 = arith.mulf %mul3A_241, %get3A_240 : vector<16xf32>
        %add3A_243 = arith.addf %add3A_232, %mul3A_242 : vector<16xf32>
        %swap3A_244 = arith.index_cast %scan3A_30 : i32 to index
        %swap3A_245 = arith.constant 80 : index
        %swap3A_246 = tpu.vector_load %arg9[%swap3A_244, %swap3A_245] {strides = array<i32>} : memref<32x256xf32, #tpu.memory_space<vmem>>, vector<1x16xf32>,
        %swap3A_247 = vector.shape_cast %swap3A_246 : vector<1x16xf32> to vector<16xf32>
        %swap3A_248 = vector.shape_cast %add3A_243 : vector<16xf32> to vector<1x16xf32>
        tpu.vector_store %arg9[%swap3A_244, %swap3A_245], %swap3A_248 {strides = array<i32>} : memref<32x256xf32, #tpu.memory_space<vmem>>, vector<1x16xf32>,
        %mul3A_249 = arith.constant 3 : i32
        %mul3A_250 = arith.muli %mul3A_249, %scan3A_30 : i32
        %get3A_251 = arith.index_cast %mul3A_250 : i32 to index
        %get3A_252 = arith.constant 96 : index
        %get3A_253 = tpu.vector_load %arg8[%get3A_251, %get3A_252] {strides = array<i32>} : memref<96x256xf32, #tpu.memory_space<vmem>>, vector<1x16xf32>,
        %get3A_254 = vector.shape_cast %get3A_253 : vector<1x16xf32> to vector<16xf32>
        %mul3A_255 = vector.broadcast %squeeze3A : f32 to vector<16xf32>
        %mul3A_256 = arith.mulf %mul3A_255, %get3A_254 : vector<16xf32>
        %mul3A_257 = arith.constant 3 : i32
        %mul3A_258 = arith.muli %mul3A_257, %scan3A_30 : i32
        %add3A_259 = arith.constant 1 : i32
        %add3A_260 = arith.addi %mul3A_258, %add3A_259 : i32
        %get3A_261 = arith.index_cast %add3A_260 : i32 to index
        %get3A_262 = arith.constant 96 : index
        %get3A_263 = tpu.vector_load %arg8[%get3A_261, %get3A_262] {strides = array<i32>} : memref<96x256xf32, #tpu.memory_space<vmem>>, vector<1x16xf32>,
        %get3A_264 = vector.shape_cast %get3A_263 : vector<1x16xf32> to vector<16xf32>
        %mul3A_265 = vector.broadcast %squeeze3A_37 : f32 to vector<16xf32>
        %mul3A_266 = arith.mulf %mul3A_265, %get3A_264 : vector<16xf32>
        %add3A_267 = arith.addf %mul3A_256, %mul3A_266 : vector<16xf32>
        %mul3A_268 = arith.constant 3 : i32
        %mul3A_269 = arith.muli %mul3A_268, %scan3A_30 : i32
        %add3A_270 = arith.constant 2 : i32
        %add3A_271 = arith.addi %mul3A_269, %add3A_270 : i32
        %get3A_272 = arith.index_cast %add3A_271 : i32 to index
        %get3A_273 = arith.constant 96 : index
        %get3A_274 = tpu.vector_load %arg8[%get3A_272, %get3A_273] {strides = array<i32>} : memref<96x256xf32, #tpu.memory_space<vmem>>, vector<1x16xf32>,
        %get3A_275 = vector.shape_cast %get3A_274 : vector<1x16xf32> to vector<16xf32>
        %mul3A_276 = vector.broadcast %squeeze3A_39 : f32 to vector<16xf32>
        %mul3A_277 = arith.mulf %mul3A_276, %get3A_275 : vector<16xf32>
        %add3A_278 = arith.addf %add3A_267, %mul3A_277 : vector<16xf32>
        %swap3A_279 = arith.index_cast %scan3A_30 : i32 to index
        %swap3A_280 = arith.constant 96 : index
        %swap3A_281 = tpu.vector_load %arg9[%swap3A_279, %swap3A_280] {strides = array<i32>} : memref<32x256xf32, #tpu.memory_space<vmem>>, vector<1x16xf32>,
        %swap3A_282 = vector.shape_cast %swap3A_281 : vector<1x16xf32> to vector<16xf32>
        %swap3A_283 = vector.shape_cast %add3A_278 : vector<16xf32> to vector<1x16xf32>
        tpu.vector_store %arg9[%swap3A_279, %swap3A_280], %swap3A_283 {strides = array<i32>} : memref<32x256xf32, #tpu.memory_space<vmem>>, vector<1x16xf32>,
        %mul3A_284 = arith.constant 3 : i32
        %mul3A_285 = arith.muli %mul3A_284, %scan3A_30 : i32
        %get3A_286 = arith.index_cast %mul3A_285 : i32 to index
        %get3A_287 = arith.constant 112 : index
        %get3A_288 = tpu.vector_load %arg8[%get3A_286, %get3A_287] {strides = array<i32>} : memref<96x256xf32, #tpu.memory_space<vmem>>, vector<1x16xf32>,
        %get3A_289 = vector.shape_cast %get3A_288 : vector<1x16xf32> to vector<16xf32>
        %mul3A_290 = vector.broadcast %squeeze3A : f32 to vector<16xf32>
        %mul3A_291 = arith.mulf %mul3A_290, %get3A_289 : vector<16xf32>
        %mul3A_292 = arith.constant 3 : i32
        %mul3A_293 = arith.muli %mul3A_292, %scan3A_30 : i32
        %add3A_294 = arith.constant 1 : i32
        %add3A_295 = arith.addi %mul3A_293, %add3A_294 : i32
        %get3A_296 = arith.index_cast %add3A_295 : i32 to index
        %get3A_297 = arith.constant 112 : index
        %get3A_298 = tpu.vector_load %arg8[%get3A_296, %get3A_297] {strides = array<i32>} : memref<96x256xf32, #tpu.memory_space<vmem>>, vector<1x16xf32>,
        %get3A_299 = vector.shape_cast %get3A_298 : vector<1x16xf32> to vector<16xf32>
        %mul3A_300 = vector.broadcast %squeeze3A_37 : f32 to vector<16xf32>
        %mul3A_301 = arith.mulf %mul3A_300, %get3A_299 : vector<16xf32>
        %add3A_302 = arith.addf %mul3A_291, %mul3A_301 : vector<16xf32>
        %mul3A_303 = arith.constant 3 : i32
        %mul3A_304 = arith.muli %mul3A_303, %scan3A_30 : i32
        %add3A_305 = arith.constant 2 : i32
        %add3A_306 = arith.addi %mul3A_304, %add3A_305 : i32
        %get3A_307 = arith.index_cast %add3A_306 : i32 to index
        %get3A_308 = arith.constant 112 : index
        %get3A_309 = tpu.vector_load %arg8[%get3A_307, %get3A_308] {strides = array<i32>} : memref<96x256xf32, #tpu.memory_space<vmem>>, vector<1x16xf32>,
        %get3A_310 = vector.shape_cast %get3A_309 : vector<1x16xf32> to vector<16xf32>
        %mul3A_311 = vector.broadcast %squeeze3A_39 : f32 to vector<16xf32>
        %mul3A_312 = arith.mulf %mul3A_311, %get3A_310 : vector<16xf32>
        %add3A_313 = arith.addf %add3A_302, %mul3A_312 : vector<16xf32>
        %swap3A_314 = arith.index_cast %scan3A_30 : i32 to index
        %swap3A_315 = arith.constant 112 : index
        %swap3A_316 = tpu.vector_load %arg9[%swap3A_314, %swap3A_315] {strides = array<i32>} : memref<32x256xf32, #tpu.memory_space<vmem>>, vector<1x16xf32>,
        %swap3A_317 = vector.shape_cast %swap3A_316 : vector<1x16xf32> to vector<16xf32>
        %swap3A_318 = vector.shape_cast %add3A_313 : vector<16xf32> to vector<1x16xf32>
        tpu.vector_store %arg9[%swap3A_314, %swap3A_315], %swap3A_318 {strides = array<i32>} : memref<32x256xf32, #tpu.memory_space<vmem>>, vector<1x16xf32>,
        %mul3A_319 = arith.constant 3 : i32
        %mul3A_320 = arith.muli %mul3A_319, %scan3A_30 : i32
        %get3A_321 = arith.index_cast %mul3A_320 : i32 to index
        %get3A_322 = arith.constant 128 : index
        %get3A_323 = tpu.vector_load %arg8[%get3A_321, %get3A_322] {strides = array<i32>} : memref<96x256xf32, #tpu.memory_space<vmem>>, vector<1x16xf32>,
        %get3A_324 = vector.shape_cast %get3A_323 : vector<1x16xf32> to vector<16xf32>
        %mul3A_325 = vector.broadcast %squeeze3A : f32 to vector<16xf32>
        %mul3A_326 = arith.mulf %mul3A_325, %get3A_324 : vector<16xf32>
        %mul3A_327 = arith.constant 3 : i32
        %mul3A_328 = arith.muli %mul3A_327, %scan3A_30 : i32
        %add3A_329 = arith.constant 1 : i32
        %add3A_330 = arith.addi %mul3A_328, %add3A_329 : i32
        %get3A_331 = arith.index_cast %add3A_330 : i32 to index
        %get3A_332 = arith.constant 128 : index
        %get3A_333 = tpu.vector_load %arg8[%get3A_331, %get3A_332] {strides = array<i32>} : memref<96x256xf32, #tpu.memory_space<vmem>>, vector<1x16xf32>,
        %get3A_334 = vector.shape_cast %get3A_333 : vector<1x16xf32> to vector<16xf32>
        %mul3A_335 = vector.broadcast %squeeze3A_37 : f32 to vector<16xf32>
        %mul3A_336 = arith.mulf %mul3A_335, %get3A_334 : vector<16xf32>
        %add3A_337 = arith.addf %mul3A_326, %mul3A_336 : vector<16xf32>
        %mul3A_338 = arith.constant 3 : i32
        %mul3A_339 = arith.muli %mul3A_338, %scan3A_30 : i32
        %add3A_340 = arith.constant 2 : i32
        %add3A_341 = arith.addi %mul3A_339, %add3A_340 : i32
        %get3A_342 = arith.index_cast %add3A_341 : i32 to index
        %get3A_343 = arith.constant 128 : index
        %get3A_344 = tpu.vector_load %arg8[%get3A_342, %get3A_343] {strides = array<i32>} : memref<96x256xf32, #tpu.memory_space<vmem>>, vector<1x16xf32>,
        %get3A_345 = vector.shape_cast %get3A_344 : vector<1x16xf32> to vector<16xf32>
        %mul3A_346 = vector.broadcast %squeeze3A_39 : f32 to vector<16xf32>
        %mul3A_347 = arith.mulf %mul3A_346, %get3A_345 : vector<16xf32>
        %add3A_348 = arith.addf %add3A_337, %mul3A_347 : vector<16xf32>
        %swap3A_349 = arith.index_cast %scan3A_30 : i32 to index
        %swap3A_350 = arith.constant 128 : index
        %swap3A_351 = tpu.vector_load %arg9[%swap3A_349, %swap3A_350] {strides = array<i32>} : memref<32x256xf32, #tpu.memory_space<vmem>>, vector<1x16xf32>,
        %swap3A_352 = vector.shape_cast %swap3A_351 : vector<1x16xf32> to vector<16xf32>
        %swap3A_353 = vector.shape_cast %add3A_348 : vector<16xf32> to vector<1x16xf32>
        tpu.vector_store %arg9[%swap3A_349, %swap3A_350], %swap3A_353 {strides = array<i32>} : memref<32x256xf32, #tpu.memory_space<vmem>>, vector<1x16xf32>,
        %mul3A_354 = arith.constant 3 : i32
        %mul3A_355 = arith.muli %mul3A_354, %scan3A_30 : i32
        %get3A_356 = arith.index_cast %mul3A_355 : i32 to index
        %get3A_357 = arith.constant 144 : index
        %get3A_358 = tpu.vector_load %arg8[%get3A_356, %get3A_357] {strides = array<i32>} : memref<96x256xf32, #tpu.memory_space<vmem>>, vector<1x16xf32>,
        %get3A_359 = vector.shape_cast %get3A_358 : vector<1x16xf32> to vector<16xf32>
        %mul3A_360 = vector.broadcast %squeeze3A : f32 to vector<16xf32>
        %mul3A_361 = arith.mulf %mul3A_360, %get3A_359 : vector<16xf32>
        %mul3A_362 = arith.constant 3 : i32
        %mul3A_363 = arith.muli %mul3A_362, %scan3A_30 : i32
        %add3A_364 = arith.constant 1 : i32
        %add3A_365 = arith.addi %mul3A_363, %add3A_364 : i32
        %get3A_366 = arith.index_cast %add3A_365 : i32 to index
        %get3A_367 = arith.constant 144 : index
        %get3A_368 = tpu.vector_load %arg8[%get3A_366, %get3A_367] {strides = array<i32>} : memref<96x256xf32, #tpu.memory_space<vmem>>, vector<1x16xf32>,
        %get3A_369 = vector.shape_cast %get3A_368 : vector<1x16xf32> to vector<16xf32>
        %mul3A_370 = vector.broadcast %squeeze3A_37 : f32 to vector<16xf32>
        %mul3A_371 = arith.mulf %mul3A_370, %get3A_369 : vector<16xf32>
        %add3A_372 = arith.addf %mul3A_361, %mul3A_371 : vector<16xf32>
        %mul3A_373 = arith.constant 3 : i32
        %mul3A_374 = arith.muli %mul3A_373, %scan3A_30 : i32
        %add3A_375 = arith.constant 2 : i32
        %add3A_376 = arith.addi %mul3A_374, %add3A_375 : i32
        %get3A_377 = arith.index_cast %add3A_376 : i32 to index
        %get3A_378 = arith.constant 144 : index
        %get3A_379 = tpu.vector_load %arg8[%get3A_377, %get3A_378] {strides = array<i32>} : memref<96x256xf32, #tpu.memory_space<vmem>>, vector<1x16xf32>,
        %get3A_380 = vector.shape_cast %get3A_379 : vector<1x16xf32> to vector<16xf32>
        %mul3A_381 = vector.broadcast %squeeze3A_39 : f32 to vector<16xf32>
        %mul3A_382 = arith.mulf %mul3A_381, %get3A_380 : vector<16xf32>
        %add3A_383 = arith.addf %add3A_372, %mul3A_382 : vector<16xf32>
        %swap3A_384 = arith.index_cast %scan3A_30 : i32 to index
        %swap3A_385 = arith.constant 144 : index
        %swap3A_386 = tpu.vector_load %arg9[%swap3A_384, %swap3A_385] {strides = array<i32>} : memref<32x256xf32, #tpu.memory_space<vmem>>, vector<1x16xf32>,
        %swap3A_387 = vector.shape_cast %swap3A_386 : vector<1x16xf32> to vector<16xf32>
        %swap3A_388 = vector.shape_cast %add3A_383 : vector<16xf32> to vector<1x16xf32>
        tpu.vector_store %arg9[%swap3A_384, %swap3A_385], %swap3A_388 {strides = array<i32>} : memref<32x256xf32, #tpu.memory_space<vmem>>, vector<1x16xf32>,
        %mul3A_389 = arith.constant 3 : i32
        %mul3A_390 = arith.muli %mul3A_389, %scan3A_30 : i32
        %get3A_391 = arith.index_cast %mul3A_390 : i32 to index
        %get3A_392 = arith.constant 160 : index
        %get3A_393 = tpu.vector_load %arg8[%get3A_391, %get3A_392] {strides = array<i32>} : memref<96x256xf32, #tpu.memory_space<vmem>>, vector<1x16xf32>,
        %get3A_394 = vector.shape_cast %get3A_393 : vector<1x16xf32> to vector<16xf32>
        %mul3A_395 = vector.broadcast %squeeze3A : f32 to vector<16xf32>
        %mul3A_396 = arith.mulf %mul3A_395, %get3A_394 : vector<16xf32>
        %mul3A_397 = arith.constant 3 : i32
        %mul3A_398 = arith.muli %mul3A_397, %scan3A_30 : i32
        %add3A_399 = arith.constant 1 : i32
        %add3A_400 = arith.addi %mul3A_398, %add3A_399 : i32
        %get3A_401 = arith.index_cast %add3A_400 : i32 to index
        %get3A_402 = arith.constant 160 : index
        %get3A_403 = tpu.vector_load %arg8[%get3A_401, %get3A_402] {strides = array<i32>} : memref<96x256xf32, #tpu.memory_space<vmem>>, vector<1x16xf32>,
        %get3A_404 = vector.shape_cast %get3A_403 : vector<1x16xf32> to vector<16xf32>
        %mul3A_405 = vector.broadcast %squeeze3A_37 : f32 to vector<16xf32>
        %mul3A_406 = arith.mulf %mul3A_405, %get3A_404 : vector<16xf32>
        %add3A_407 = arith.addf %mul3A_396, %mul3A_406 : vector<16xf32>
        %mul3A_408 = arith.constant 3 : i32
        %mul3A_409 = arith.muli %mul3A_408, %scan3A_30 : i32
        %add3A_410 = arith.constant 2 : i32
        %add3A_411 = arith.addi %mul3A_409, %add3A_410 : i32
        %get3A_412 = arith.index_cast %add3A_411 : i32 to index
        %get3A_413 = arith.constant 160 : index
        %get3A_414 = tpu.vector_load %arg8[%get3A_412, %get3A_413] {strides = array<i32>} : memref<96x256xf32, #tpu.memory_space<vmem>>, vector<1x16xf32>,
        %get3A_415 = vector.shape_cast %get3A_414 : vector<1x16xf32> to vector<16xf32>
        %mul3A_416 = vector.broadcast %squeeze3A_39 : f32 to vector<16xf32>
        %mul3A_417 = arith.mulf %mul3A_416, %get3A_415 : vector<16xf32>
        %add3A_418 = arith.addf %add3A_407, %mul3A_417 : vector<16xf32>
        %swap3A_419 = arith.index_cast %scan3A_30 : i32 to index
        %swap3A_420 = arith.constant 160 : index
        %swap3A_421 = tpu.vector_load %arg9[%swap3A_419, %swap3A_420] {strides = array<i32>} : memref<32x256xf32, #tpu.memory_space<vmem>>, vector<1x16xf32>,
        %swap3A_422 = vector.shape_cast %swap3A_421 : vector<1x16xf32> to vector<16xf32>
        %swap3A_423 = vector.shape_cast %add3A_418 : vector<16xf32> to vector<1x16xf32>
        tpu.vector_store %arg9[%swap3A_419, %swap3A_420], %swap3A_423 {strides = array<i32>} : memref<32x256xf32, #tpu.memory_space<vmem>>, vector<1x16xf32>,
        %mul3A_424 = arith.constant 3 : i32
        %mul3A_425 = arith.muli %mul3A_424, %scan3A_30 : i32
        %get3A_426 = arith.index_cast %mul3A_425 : i32 to index
        %get3A_427 = arith.constant 176 : index
        %get3A_428 = tpu.vector_load %arg8[%get3A_426, %get3A_427] {strides = array<i32>} : memref<96x256xf32, #tpu.memory_space<vmem>>, vector<1x16xf32>,
        %get3A_429 = vector.shape_cast %get3A_428 : vector<1x16xf32> to vector<16xf32>
        %mul3A_430 = vector.broadcast %squeeze3A : f32 to vector<16xf32>
        %mul3A_431 = arith.mulf %mul3A_430, %get3A_429 : vector<16xf32>
        %mul3A_432 = arith.constant 3 : i32
        %mul3A_433 = arith.muli %mul3A_432, %scan3A_30 : i32
        %add3A_434 = arith.constant 1 : i32
        %add3A_435 = arith.addi %mul3A_433, %add3A_434 : i32
        %get3A_436 = arith.index_cast %add3A_435 : i32 to index
        %get3A_437 = arith.constant 176 : index
        %get3A_438 = tpu.vector_load %arg8[%get3A_436, %get3A_437] {strides = array<i32>} : memref<96x256xf32, #tpu.memory_space<vmem>>, vector<1x16xf32>,
        %get3A_439 = vector.shape_cast %get3A_438 : vector<1x16xf32> to vector<16xf32>
        %mul3A_440 = vector.broadcast %squeeze3A_37 : f32 to vector<16xf32>
        %mul3A_441 = arith.mulf %mul3A_440, %get3A_439 : vector<16xf32>
        %add3A_442 = arith.addf %mul3A_431, %mul3A_441 : vector<16xf32>
        %mul3A_443 = arith.constant 3 : i32
        %mul3A_444 = arith.muli %mul3A_443, %scan3A_30 : i32
        %add3A_445 = arith.constant 2 : i32
        %add3A_446 = arith.addi %mul3A_444, %add3A_445 : i32
        %get3A_447 = arith.index_cast %add3A_446 : i32 to index
        %get3A_448 = arith.constant 176 : index
        %get3A_449 = tpu.vector_load %arg8[%get3A_447, %get3A_448] {strides = array<i32>} : memref<96x256xf32, #tpu.memory_space<vmem>>, vector<1x16xf32>,
        %get3A_450 = vector.shape_cast %get3A_449 : vector<1x16xf32> to vector<16xf32>
        %mul3A_451 = vector.broadcast %squeeze3A_39 : f32 to vector<16xf32>
        %mul3A_452 = arith.mulf %mul3A_451, %get3A_450 : vector<16xf32>
        %add3A_453 = arith.addf %add3A_442, %mul3A_452 : vector<16xf32>
        %swap3A_454 = arith.index_cast %scan3A_30 : i32 to index
        %swap3A_455 = arith.constant 176 : index
        %swap3A_456 = tpu.vector_load %arg9[%swap3A_454, %swap3A_455] {strides = array<i32>} : memref<32x256xf32, #tpu.memory_space<vmem>>, vector<1x16xf32>,
        %swap3A_457 = vector.shape_cast %swap3A_456 : vector<1x16xf32> to vector<16xf32>
        %swap3A_458 = vector.shape_cast %add3A_453 : vector<16xf32> to vector<1x16xf32>
        tpu.vector_store %arg9[%swap3A_454, %swap3A_455], %swap3A_458 {strides = array<i32>} : memref<32x256xf32, #tpu.memory_space<vmem>>, vector<1x16xf32>,
        %mul3A_459 = arith.constant 3 : i32
        %mul3A_460 = arith.muli %mul3A_459, %scan3A_30 : i32
        %get3A_461 = arith.index_cast %mul3A_460 : i32 to index
        %get3A_462 = arith.constant 192 : index
        %get3A_463 = tpu.vector_load %arg8[%get3A_461, %get3A_462] {strides = array<i32>} : memref<96x256xf32, #tpu.memory_space<vmem>>, vector<1x16xf32>,
        %get3A_464 = vector.shape_cast %get3A_463 : vector<1x16xf32> to vector<16xf32>
        %mul3A_465 = vector.broadcast %squeeze3A : f32 to vector<16xf32>
        %mul3A_466 = arith.mulf %mul3A_465, %get3A_464 : vector<16xf32>
        %mul3A_467 = arith.constant 3 : i32
        %mul3A_468 = arith.muli %mul3A_467, %scan3A_30 : i32
        %add3A_469 = arith.constant 1 : i32
        %add3A_470 = arith.addi %mul3A_468, %add3A_469 : i32
        %get3A_471 = arith.index_cast %add3A_470 : i32 to index
        %get3A_472 = arith.constant 192 : index
        %get3A_473 = tpu.vector_load %arg8[%get3A_471, %get3A_472] {strides = array<i32>} : memref<96x256xf32, #tpu.memory_space<vmem>>, vector<1x16xf32>,
        %get3A_474 = vector.shape_cast %get3A_473 : vector<1x16xf32> to vector<16xf32>
        %mul3A_475 = vector.broadcast %squeeze3A_37 : f32 to vector<16xf32>
        %mul3A_476 = arith.mulf %mul3A_475, %get3A_474 : vector<16xf32>
        %add3A_477 = arith.addf %mul3A_466, %mul3A_476 : vector<16xf32>
        %mul3A_478 = arith.constant 3 : i32
        %mul3A_479 = arith.muli %mul3A_478, %scan3A_30 : i32
        %add3A_480 = arith.constant 2 : i32
        %add3A_481 = arith.addi %mul3A_479, %add3A_480 : i32
        %get3A_482 = arith.index_cast %add3A_481 : i32 to index
        %get3A_483 = arith.constant 192 : index
        %get3A_484 = tpu.vector_load %arg8[%get3A_482, %get3A_483] {strides = array<i32>} : memref<96x256xf32, #tpu.memory_space<vmem>>, vector<1x16xf32>,
        %get3A_485 = vector.shape_cast %get3A_484 : vector<1x16xf32> to vector<16xf32>
        %mul3A_486 = vector.broadcast %squeeze3A_39 : f32 to vector<16xf32>
        %mul3A_487 = arith.mulf %mul3A_486, %get3A_485 : vector<16xf32>
        %add3A_488 = arith.addf %add3A_477, %mul3A_487 : vector<16xf32>
        %swap3A_489 = arith.index_cast %scan3A_30 : i32 to index
        %swap3A_490 = arith.constant 192 : index
        %swap3A_491 = tpu.vector_load %arg9[%swap3A_489, %swap3A_490] {strides = array<i32>} : memref<32x256xf32, #tpu.memory_space<vmem>>, vector<1x16xf32>,
        %swap3A_492 = vector.shape_cast %swap3A_491 : vector<1x16xf32> to vector<16xf32>
        %swap3A_493 = vector.shape_cast %add3A_488 : vector<16xf32> to vector<1x16xf32>
        tpu.vector_store %arg9[%swap3A_489, %swap3A_490], %swap3A_493 {strides = array<i32>} : memref<32x256xf32, #tpu.memory_space<vmem>>, vector<1x16xf32>,
        %mul3A_494 = arith.constant 3 : i32
        %mul3A_495 = arith.muli %mul3A_494, %scan3A_30 : i32
        %get3A_496 = arith.index_cast %mul3A_495 : i32 to index
        %get3A_497 = arith.constant 208 : index
        %get3A_498 = tpu.vector_load %arg8[%get3A_496, %get3A_497] {strides = array<i32>} : memref<96x256xf32, #tpu.memory_space<vmem>>, vector<1x16xf32>,
        %get3A_499 = vector.shape_cast %get3A_498 : vector<1x16xf32> to vector<16xf32>
        %mul3A_500 = vector.broadcast %squeeze3A : f32 to vector<16xf32>
        %mul3A_501 = arith.mulf %mul3A_500, %get3A_499 : vector<16xf32>
        %mul3A_502 = arith.constant 3 : i32
        %mul3A_503 = arith.muli %mul3A_502, %scan3A_30 : i32
        %add3A_504 = arith.constant 1 : i32
        %add3A_505 = arith.addi %mul3A_503, %add3A_504 : i32
        %get3A_506 = arith.index_cast %add3A_505 : i32 to index
        %get3A_507 = arith.constant 208 : index
        %get3A_508 = tpu.vector_load %arg8[%get3A_506, %get3A_507] {strides = array<i32>} : memref<96x256xf32, #tpu.memory_space<vmem>>, vector<1x16xf32>,
        %get3A_509 = vector.shape_cast %get3A_508 : vector<1x16xf32> to vector<16xf32>
        %mul3A_510 = vector.broadcast %squeeze3A_37 : f32 to vector<16xf32>
        %mul3A_511 = arith.mulf %mul3A_510, %get3A_509 : vector<16xf32>
        %add3A_512 = arith.addf %mul3A_501, %mul3A_511 : vector<16xf32>
        %mul3A_513 = arith.constant 3 : i32
        %mul3A_514 = arith.muli %mul3A_513, %scan3A_30 : i32
        %add3A_515 = arith.constant 2 : i32
        %add3A_516 = arith.addi %mul3A_514, %add3A_515 : i32
        %get3A_517 = arith.index_cast %add3A_516 : i32 to index
        %get3A_518 = arith.constant 208 : index
        %get3A_519 = tpu.vector_load %arg8[%get3A_517, %get3A_518] {strides = array<i32>} : memref<96x256xf32, #tpu.memory_space<vmem>>, vector<1x16xf32>,
        %get3A_520 = vector.shape_cast %get3A_519 : vector<1x16xf32> to vector<16xf32>
        %mul3A_521 = vector.broadcast %squeeze3A_39 : f32 to vector<16xf32>
        %mul3A_522 = arith.mulf %mul3A_521, %get3A_520 : vector<16xf32>
        %add3A_523 = arith.addf %add3A_512, %mul3A_522 : vector<16xf32>
        %swap3A_524 = arith.index_cast %scan3A_30 : i32 to index
        %swap3A_525 = arith.constant 208 : index
        %swap3A_526 = tpu.vector_load %arg9[%swap3A_524, %swap3A_525] {strides = array<i32>} : memref<32x256xf32, #tpu.memory_space<vmem>>, vector<1x16xf32>,
        %swap3A_527 = vector.shape_cast %swap3A_526 : vector<1x16xf32> to vector<16xf32>
        %swap3A_528 = vector.shape_cast %add3A_523 : vector<16xf32> to vector<1x16xf32>
        tpu.vector_store %arg9[%swap3A_524, %swap3A_525], %swap3A_528 {strides = array<i32>} : memref<32x256xf32, #tpu.memory_space<vmem>>, vector<1x16xf32>,
        %mul3A_529 = arith.constant 3 : i32
        %mul3A_530 = arith.muli %mul3A_529, %scan3A_30 : i32
        %get3A_531 = arith.index_cast %mul3A_530 : i32 to index
        %get3A_532 = arith.constant 224 : index
        %get3A_533 = tpu.vector_load %arg8[%get3A_531, %get3A_532] {strides = array<i32>} : memref<96x256xf32, #tpu.memory_space<vmem>>, vector<1x16xf32>,
        %get3A_534 = vector.shape_cast %get3A_533 : vector<1x16xf32> to vector<16xf32>
        %mul3A_535 = vector.broadcast %squeeze3A : f32 to vector<16xf32>
        %mul3A_536 = arith.mulf %mul3A_535, %get3A_534 : vector<16xf32>
        %mul3A_537 = arith.constant 3 : i32
        %mul3A_538 = arith.muli %mul3A_537, %scan3A_30 : i32
        %add3A_539 = arith.constant 1 : i32
        %add3A_540 = arith.addi %mul3A_538, %add3A_539 : i32
        %get3A_541 = arith.index_cast %add3A_540 : i32 to index
        %get3A_542 = arith.constant 224 : index
        %get3A_543 = tpu.vector_load %arg8[%get3A_541, %get3A_542] {strides = array<i32>} : memref<96x256xf32, #tpu.memory_space<vmem>>, vector<1x16xf32>,
        %get3A_544 = vector.shape_cast %get3A_543 : vector<1x16xf32> to vector<16xf32>
        %mul3A_545 = vector.broadcast %squeeze3A_37 : f32 to vector<16xf32>
        %mul3A_546 = arith.mulf %mul3A_545, %get3A_544 : vector<16xf32>
        %add3A_547 = arith.addf %mul3A_536, %mul3A_546 : vector<16xf32>
        %mul3A_548 = arith.constant 3 : i32
        %mul3A_549 = arith.muli %mul3A_548, %scan3A_30 : i32
        %add3A_550 = arith.constant 2 : i32
        %add3A_551 = arith.addi %mul3A_549, %add3A_550 : i32
        %get3A_552 = arith.index_cast %add3A_551 : i32 to index
        %get3A_553 = arith.constant 224 : index
        %get3A_554 = tpu.vector_load %arg8[%get3A_552, %get3A_553] {strides = array<i32>} : memref<96x256xf32, #tpu.memory_space<vmem>>, vector<1x16xf32>,
        %get3A_555 = vector.shape_cast %get3A_554 : vector<1x16xf32> to vector<16xf32>
        %mul3A_556 = vector.broadcast %squeeze3A_39 : f32 to vector<16xf32>
        %mul3A_557 = arith.mulf %mul3A_556, %get3A_555 : vector<16xf32>
        %add3A_558 = arith.addf %add3A_547, %mul3A_557 : vector<16xf32>
        %swap3A_559 = arith.index_cast %scan3A_30 : i32 to index
        %swap3A_560 = arith.constant 224 : index
        %swap3A_561 = tpu.vector_load %arg9[%swap3A_559, %swap3A_560] {strides = array<i32>} : memref<32x256xf32, #tpu.memory_space<vmem>>, vector<1x16xf32>,
        %swap3A_562 = vector.shape_cast %swap3A_561 : vector<1x16xf32> to vector<16xf32>
        %swap3A_563 = vector.shape_cast %add3A_558 : vector<16xf32> to vector<1x16xf32>
        tpu.vector_store %arg9[%swap3A_559, %swap3A_560], %swap3A_563 {strides = array<i32>} : memref<32x256xf32, #tpu.memory_space<vmem>>, vector<1x16xf32>,
        %mul3A_564 = arith.constant 3 : i32
        %mul3A_565 = arith.muli %mul3A_564, %scan3A_30 : i32
        %get3A_566 = arith.index_cast %mul3A_565 : i32 to index
        %get3A_567 = arith.constant 240 : index
        %get3A_568 = tpu.vector_load %arg8[%get3A_566, %get3A_567] {strides = array<i32>} : memref<96x256xf32, #tpu.memory_space<vmem>>, vector<1x16xf32>,
        %get3A_569 = vector.shape_cast %get3A_568 : vector<1x16xf32> to vector<16xf32>
        %mul3A_570 = vector.broadcast %squeeze3A : f32 to vector<16xf32>
        %mul3A_571 = arith.mulf %mul3A_570, %get3A_569 : vector<16xf32>
        %mul3A_572 = arith.constant 3 : i32
        %mul3A_573 = arith.muli %mul3A_572, %scan3A_30 : i32
        %add3A_574 = arith.constant 1 : i32
        %add3A_575 = arith.addi %mul3A_573, %add3A_574 : i32
        %get3A_576 = arith.index_cast %add3A_575 : i32 to index
        %get3A_577 = arith.constant 240 : index
        %get3A_578 = tpu.vector_load %arg8[%get3A_576, %get3A_577] {strides = array<i32>} : memref<96x256xf32, #tpu.memory_space<vmem>>, vector<1x16xf32>,
        %get3A_579 = vector.shape_cast %get3A_578 : vector<1x16xf32> to vector<16xf32>
        %mul3A_580 = vector.broadcast %squeeze3A_37 : f32 to vector<16xf32>
        %mul3A_581 = arith.mulf %mul3A_580, %get3A_579 : vector<16xf32>
        %add3A_582 = arith.addf %mul3A_571, %mul3A_581 : vector<16xf32>
        %mul3A_583 = arith.constant 3 : i32
        %mul3A_584 = arith.muli %mul3A_583, %scan3A_30 : i32
        %add3A_585 = arith.constant 2 : i32
        %add3A_586 = arith.addi %mul3A_584, %add3A_585 : i32
        %get3A_587 = arith.index_cast %add3A_586 : i32 to index
        %get3A_588 = arith.constant 240 : index
        %get3A_589 = tpu.vector_load %arg8[%get3A_587, %get3A_588] {strides = array<i32>} : memref<96x256xf32, #tpu.memory_space<vmem>>, vector<1x16xf32>,
        %get3A_590 = vector.shape_cast %get3A_589 : vector<1x16xf32> to vector<16xf32>
        %mul3A_591 = vector.broadcast %squeeze3A_39 : f32 to vector<16xf32>
        %mul3A_592 = arith.mulf %mul3A_591, %get3A_590 : vector<16xf32>
        %add3A_593 = arith.addf %add3A_582, %mul3A_592 : vector<16xf32>
        %swap3A_594 = arith.index_cast %scan3A_30 : i32 to index
        %swap3A_595 = arith.constant 240 : index
        %swap3A_596 = tpu.vector_load %arg9[%swap3A_594, %swap3A_595] {strides = array<i32>} : memref<32x256xf32, #tpu.memory_space<vmem>>, vector<1x16xf32>,
        %swap3A_597 = vector.shape_cast %swap3A_596 : vector<1x16xf32> to vector<16xf32>
        %swap3A_598 = vector.shape_cast %add3A_593 : vector<16xf32> to vector<1x16xf32>
        tpu.vector_store %arg9[%swap3A_594, %swap3A_595], %swap3A_598 {strides = array<i32>} : memref<32x256xf32, #tpu.memory_space<vmem>>, vector<1x16xf32>,
        %scan3A_599 = arith.constant 0 : i32
        scf.yield %scan3A_599 : i32
      }
      %scan3A_28 = arith.constant 32 : i32
      "tpu.region"() ({
        %run_scoped3A = tpu.sem_alloc : memref<!tpu.dma_semaphore, #tpu.memory_space<semaphore_mem>>
        %dma_start3A_30 = arith.constant 0 : i32
        %dma_start3A_31 = tpu.memref_slice %arg5[%add3A_13, %dma_start3A_30] : memref<32768x256xf32, #tpu.memory_space<hbm>> -> memref<32x256xf32, #tpu.memory_space<hbm>>
        %dma_start3A_32 = arith.constant 0 : i32
        %dma_start3A_33 = tpu.memref_slice %arg5[%add3A_13, %dma_start3A_32] : memref<32768x256xf32, #tpu.memory_space<hbm>> -> memref<32x256xf32, #tpu.memory_space<hbm>>
        tpu.enqueue_dma source(%arg9 : memref<32x256xf32, #tpu.memory_space<vmem>>) target(%dma_start3A_33 : memref<32x256xf32, #tpu.memory_space<hbm>>) target_semaphore(%run_scoped3A : memref<!tpu.dma_semaphore, #tpu.memory_space<semaphore_mem>>)
        %dma_wait3A_34 = arith.constant 0 : i32
        %dma_wait3A_35 = tpu.memref_slice %arg5[%add3A_13, %dma_wait3A_34] : memref<32768x256xf32, #tpu.memory_space<hbm>> -> memref<32x256xf32, #tpu.memory_space<hbm>>
        %dma_wait3A_36 = arith.constant 0 : i32
        %dma_wait3A_37 = tpu.memref_slice %arg5[%add3A_13, %dma_wait3A_36] : memref<32768x256xf32, #tpu.memory_space<hbm>> -> memref<32x256xf32, #tpu.memory_space<hbm>>
        tpu.wait_dma2 semaphore(%run_scoped3A : memref<!tpu.dma_semaphore, #tpu.memory_space<semaphore_mem>>) src(%arg9 : memref<32x256xf32, #tpu.memory_space<vmem>>) dst(%dma_wait3A_37 : memref<32x256xf32, #tpu.memory_space<hbm>>)
        tpu.yield
      }) : () -> ()
      %scan3A_29 = arith.constant 0 : i32
      scf.yield %scan3A_29 : i32
    }
    %scan3A_8 = arith.constant 32 : i32
    return
  }
}

module attributes {stable_mosaic.version = 14 : i64} {
  func.func @_nn_body(%arg0: i32, %arg1: i32, %arg2: memref<1x1024x3xf32, #tpu.memory_space<vmem>>, %arg3: memref<1x8x1024xf32, #tpu.memory_space<vmem>>, %arg4: memref<1x1024x3xi32, #tpu.memory_space<vmem>>, %arg5: memref<1x1024x16xf32, #tpu.memory_space<vmem>>) attributes {dimension_semantics = [#tpu.dimension_semantics<arbitrary>, #tpu.dimension_semantics<arbitrary>], iteration_bounds = array<i64: 8, 4>, scalar_prefetch = 0 : i64, scratch_operands = 0 : i64, tpu.core_type = #tpu.core_type<tc>, window_params = [{transform_indices = @transform_0, window_bounds = array<i64: 1, 1024, 3>}, {transform_indices = @transform_1, window_bounds = array<i64: 1, 8, 1024>}, {transform_indices = @transform_2, window_bounds = array<i64: 1, 1024, 3>}, {transform_indices = @transform_3, window_bounds = array<i64: 1, 1024, 16>}]} {
    %get3A = arith.constant 0 : index
    %get3A_0 = arith.constant 0 : index
    %get3A_1 = arith.constant 0 : index
    %get3A_2 = vector.load %arg3[%get3A, %get3A_0, %get3A_1] : memref<1x8x1024xf32, #tpu.memory_space<vmem>>, vector<1x8x1024xf32>
    %get3A_3 = vector.shape_cast %get3A_2 : vector<1x8x1024xf32> to vector<8x1024xf32>
    %get3A_4 = arith.constant 0 : index
    %get3A_5 = arith.constant 0 : index
    %get3A_6 = arith.constant 0 : index
    %get3A_7 = vector.load %arg2[%get3A_4, %get3A_5, %get3A_6] : memref<1x1024x3xf32, #tpu.memory_space<vmem>>, vector<1x512x3xf32>
    %get3A_8 = vector.shape_cast %get3A_7 : vector<1x512x3xf32> to vector<512x3xf32>
    %mul3A = arith.mulf %get3A_8, %get3A_8 : vector<512x3xf32>
    %reduce_sum3A = arith.constant dense<0.000000e+00> : vector<512xf32>
    %reduce_sum3A_9 = vector.multi_reduction <add>, %mul3A, %reduce_sum3A [1] : vector<512x3xf32> to vector<512xf32>
    %broadcast_in_dim3A = vector.shape_cast %reduce_sum3A_9 : vector<512xf32> to vector<512x1xf32>
    %slice3A = vector.extract_strided_slice %get3A_8 {offsets = [0, 0], sizes = [512, 1], strides = [1, 1]} : vector<512x3xf32> to vector<512x1xf32>
    %squeeze3A = vector.shape_cast %slice3A : vector<512x1xf32> to vector<512xf32>
    %mul3A_10 = arith.constant -2.000000e+00 : f32
    %mul3A_11 = vector.broadcast %mul3A_10 : f32 to vector<512xf32>
    %mul3A_12 = arith.mulf %mul3A_11, %squeeze3A : vector<512xf32>
    %broadcast_in_dim3A_13 = vector.shape_cast %mul3A_12 : vector<512xf32> to vector<512x1xf32>
    %slice3A_14 = vector.extract_strided_slice %get3A_3 {offsets = [0, 0], sizes = [1, 1024], strides = [1, 1]} : vector<8x1024xf32> to vector<1x1024xf32>
    %squeeze3A_15 = vector.shape_cast %slice3A_14 : vector<1x1024xf32> to vector<1024xf32>
    %broadcast_in_dim3A_16 = vector.shape_cast %squeeze3A_15 : vector<1024xf32> to vector<1x1024xf32>
    %mul3A_17 = vector.broadcast %broadcast_in_dim3A_13 : vector<512x1xf32> to vector<512x1024xf32>
    %mul3A_18 = vector.broadcast %broadcast_in_dim3A_16 : vector<1x1024xf32> to vector<512x1024xf32>
    %mul3A_19 = arith.mulf %mul3A_17, %mul3A_18 : vector<512x1024xf32>
    %slice3A_20 = vector.extract_strided_slice %get3A_8 {offsets = [0, 1], sizes = [512, 1], strides = [1, 1]} : vector<512x3xf32> to vector<512x1xf32>
    %squeeze3A_21 = vector.shape_cast %slice3A_20 : vector<512x1xf32> to vector<512xf32>
    %mul3A_22 = arith.constant -2.000000e+00 : f32
    %mul3A_23 = vector.broadcast %mul3A_22 : f32 to vector<512xf32>
    %mul3A_24 = arith.mulf %mul3A_23, %squeeze3A_21 : vector<512xf32>
    %broadcast_in_dim3A_25 = vector.shape_cast %mul3A_24 : vector<512xf32> to vector<512x1xf32>
    %slice3A_26 = vector.extract_strided_slice %get3A_3 {offsets = [1, 0], sizes = [1, 1024], strides = [1, 1]} : vector<8x1024xf32> to vector<1x1024xf32>
    %squeeze3A_27 = vector.shape_cast %slice3A_26 : vector<1x1024xf32> to vector<1024xf32>
    %broadcast_in_dim3A_28 = vector.shape_cast %squeeze3A_27 : vector<1024xf32> to vector<1x1024xf32>
    %mul3A_29 = vector.broadcast %broadcast_in_dim3A_25 : vector<512x1xf32> to vector<512x1024xf32>
    %mul3A_30 = vector.broadcast %broadcast_in_dim3A_28 : vector<1x1024xf32> to vector<512x1024xf32>
    %mul3A_31 = arith.mulf %mul3A_29, %mul3A_30 : vector<512x1024xf32>
    %add3A = arith.addf %mul3A_19, %mul3A_31 : vector<512x1024xf32>
    %slice3A_32 = vector.extract_strided_slice %get3A_8 {offsets = [0, 2], sizes = [512, 1], strides = [1, 1]} : vector<512x3xf32> to vector<512x1xf32>
    %squeeze3A_33 = vector.shape_cast %slice3A_32 : vector<512x1xf32> to vector<512xf32>
    %mul3A_34 = arith.constant -2.000000e+00 : f32
    %mul3A_35 = vector.broadcast %mul3A_34 : f32 to vector<512xf32>
    %mul3A_36 = arith.mulf %mul3A_35, %squeeze3A_33 : vector<512xf32>
    %broadcast_in_dim3A_37 = vector.shape_cast %mul3A_36 : vector<512xf32> to vector<512x1xf32>
    %slice3A_38 = vector.extract_strided_slice %get3A_3 {offsets = [2, 0], sizes = [1, 1024], strides = [1, 1]} : vector<8x1024xf32> to vector<1x1024xf32>
    %squeeze3A_39 = vector.shape_cast %slice3A_38 : vector<1x1024xf32> to vector<1024xf32>
    %broadcast_in_dim3A_40 = vector.shape_cast %squeeze3A_39 : vector<1024xf32> to vector<1x1024xf32>
    %mul3A_41 = vector.broadcast %broadcast_in_dim3A_37 : vector<512x1xf32> to vector<512x1024xf32>
    %mul3A_42 = vector.broadcast %broadcast_in_dim3A_40 : vector<1x1024xf32> to vector<512x1024xf32>
    %mul3A_43 = arith.mulf %mul3A_41, %mul3A_42 : vector<512x1024xf32>
    %slice3A_44 = vector.extract_strided_slice %get3A_3 {offsets = [3, 0], sizes = [1, 1024], strides = [1, 1]} : vector<8x1024xf32> to vector<1x1024xf32>
    %squeeze3A_45 = vector.shape_cast %slice3A_44 : vector<1x1024xf32> to vector<1024xf32>
    %broadcast_in_dim3A_46 = vector.shape_cast %squeeze3A_45 : vector<1024xf32> to vector<1x1024xf32>
    %add3A_47 = vector.broadcast %broadcast_in_dim3A_46 : vector<1x1024xf32> to vector<512x1024xf32>
    %add3A_48 = arith.addf %mul3A_43, %add3A_47 : vector<512x1024xf32>
    %add3A_49 = arith.addf %add3A, %add3A_48 : vector<512x1024xf32>
    %iota3A = tpu.iota {dimensions = array<i32: 1>} : vector<512x1024xi32>
    %reduce_min3A = arith.constant dense<0x7F800000> : vector<512xf32>
    %reduce_min3A_50 = vector.multi_reduction <minimumf>, %add3A_49, %reduce_min3A [1] : vector<512x1024xf32> to vector<512xf32>
    %broadcast_in_dim3A_51 = vector.shape_cast %reduce_min3A_50 : vector<512xf32> to vector<512x1xf32>
    %eq3A = vector.broadcast %broadcast_in_dim3A_51 : vector<512x1xf32> to vector<512x1024xf32>
    %eq3A_52 = arith.cmpf oeq, %add3A_49, %eq3A : vector<512x1024xf32>
    %jit3A = arith.constant 1024 : i32
    %broadcast_in_dim3A_53 = vector.broadcast %jit3A : i32 to vector<512x1024xi32>
    %select_n3A = arith.select %eq3A_52, %iota3A, %broadcast_in_dim3A_53 : vector<512x1024xi1>, vector<512x1024xi32>
    %reduce_min3A_54 = arith.constant dense<2147483647> : vector<512xi32>
    %reduce_min3A_55 = vector.multi_reduction <minsi>, %select_n3A, %reduce_min3A_54 [1] : vector<512x1024xi32> to vector<512xi32>
    %broadcast_in_dim3A_56 = vector.shape_cast %reduce_min3A_55 : vector<512xi32> to vector<512x1xi32>
    %jit3A_57 = arith.constant 0x7F800000 : f32
    %broadcast_in_dim3A_58 = vector.broadcast %jit3A_57 : f32 to vector<512x1024xf32>
    %select_n3A_59 = arith.select %eq3A_52, %broadcast_in_dim3A_58, %add3A_49 : vector<512x1024xi1>, vector<512x1024xf32>
    %add3A_60 = arith.addf %broadcast_in_dim3A_51, %broadcast_in_dim3A : vector<512x1xf32>
    %max3A = arith.constant 1.000000e-24 : f32
    %max3A_61 = vector.broadcast %max3A : f32 to vector<512x1xf32>
    %max3A_62 = arith.maximumf %add3A_60, %max3A_61 : vector<512x1xf32>
    %rsqrt3A = math.rsqrt %max3A_62 : vector<512x1xf32>
    %reduce_min3A_63 = arith.constant dense<0x7F800000> : vector<512xf32>
    %reduce_min3A_64 = vector.multi_reduction <minimumf>, %select_n3A_59, %reduce_min3A_63 [1] : vector<512x1024xf32> to vector<512xf32>
    %broadcast_in_dim3A_65 = vector.shape_cast %reduce_min3A_64 : vector<512xf32> to vector<512x1xf32>
    %eq3A_66 = vector.broadcast %broadcast_in_dim3A_65 : vector<512x1xf32> to vector<512x1024xf32>
    %eq3A_67 = arith.cmpf oeq, %select_n3A_59, %eq3A_66 : vector<512x1024xf32>
    %jit3A_68 = arith.constant 1024 : i32
    %broadcast_in_dim3A_69 = vector.broadcast %jit3A_68 : i32 to vector<512x1024xi32>
    %select_n3A_70 = arith.select %eq3A_67, %iota3A, %broadcast_in_dim3A_69 : vector<512x1024xi1>, vector<512x1024xi32>
    %reduce_min3A_71 = arith.constant dense<2147483647> : vector<512xi32>
    %reduce_min3A_72 = vector.multi_reduction <minsi>, %select_n3A_70, %reduce_min3A_71 [1] : vector<512x1024xi32> to vector<512xi32>
    %broadcast_in_dim3A_73 = vector.shape_cast %reduce_min3A_72 : vector<512xi32> to vector<512x1xi32>
    %jit3A_74 = arith.constant 0x7F800000 : f32
    %broadcast_in_dim3A_75 = vector.broadcast %jit3A_74 : f32 to vector<512x1024xf32>
    %select_n3A_76 = arith.select %eq3A_67, %broadcast_in_dim3A_75, %select_n3A_59 : vector<512x1024xi1>, vector<512x1024xf32>
    %add3A_77 = arith.addf %broadcast_in_dim3A_65, %broadcast_in_dim3A : vector<512x1xf32>
    %max3A_78 = arith.constant 1.000000e-24 : f32
    %max3A_79 = vector.broadcast %max3A_78 : f32 to vector<512x1xf32>
    %max3A_80 = arith.maximumf %add3A_77, %max3A_79 : vector<512x1xf32>
    %rsqrt3A_81 = math.rsqrt %max3A_80 : vector<512x1xf32>
    %reduce_min3A_82 = arith.constant dense<0x7F800000> : vector<512xf32>
    %reduce_min3A_83 = vector.multi_reduction <minimumf>, %select_n3A_76, %reduce_min3A_82 [1] : vector<512x1024xf32> to vector<512xf32>
    %broadcast_in_dim3A_84 = vector.shape_cast %reduce_min3A_83 : vector<512xf32> to vector<512x1xf32>
    %eq3A_85 = vector.broadcast %broadcast_in_dim3A_84 : vector<512x1xf32> to vector<512x1024xf32>
    %eq3A_86 = arith.cmpf oeq, %select_n3A_76, %eq3A_85 : vector<512x1024xf32>
    %jit3A_87 = arith.constant 1024 : i32
    %broadcast_in_dim3A_88 = vector.broadcast %jit3A_87 : i32 to vector<512x1024xi32>
    %select_n3A_89 = arith.select %eq3A_86, %iota3A, %broadcast_in_dim3A_88 : vector<512x1024xi1>, vector<512x1024xi32>
    %reduce_min3A_90 = arith.constant dense<2147483647> : vector<512xi32>
    %reduce_min3A_91 = vector.multi_reduction <minsi>, %select_n3A_89, %reduce_min3A_90 [1] : vector<512x1024xi32> to vector<512xi32>
    %broadcast_in_dim3A_92 = vector.shape_cast %reduce_min3A_91 : vector<512xi32> to vector<512x1xi32>
    %add3A_93 = arith.addf %broadcast_in_dim3A_84, %broadcast_in_dim3A : vector<512x1xf32>
    %max3A_94 = arith.constant 1.000000e-24 : f32
    %max3A_95 = vector.broadcast %max3A_94 : f32 to vector<512x1xf32>
    %max3A_96 = arith.maximumf %add3A_93, %max3A_95 : vector<512x1xf32>
    %rsqrt3A_97 = math.rsqrt %max3A_96 : vector<512x1xf32>
    %add3A_98 = arith.addf %rsqrt3A, %rsqrt3A_81 : vector<512x1xf32>
    %add3A_99 = arith.addf %add3A_98, %rsqrt3A_97 : vector<512x1xf32>
    %broadcast_in_dim3A_100 = arith.constant 0.000000e+00 : f32
    %broadcast_in_dim3A_101 = vector.broadcast %broadcast_in_dim3A_100 : f32 to vector<512x13xf32>
    %concatenate3A = tpu.concatenate %rsqrt3A, %rsqrt3A_81, %rsqrt3A_97, %broadcast_in_dim3A_101 in 1 : vector<512x1xf32>, vector<512x1xf32>, vector<512x1xf32>, vector<512x13xf32> -> vector<512x16xf32>
    %div3A = vector.broadcast %add3A_99 : vector<512x1xf32> to vector<512x16xf32>
    %div3A_102 = arith.divf %concatenate3A, %div3A : vector<512x16xf32>
    %concatenate3A_103 = tpu.concatenate %broadcast_in_dim3A_56, %broadcast_in_dim3A_73, %broadcast_in_dim3A_92 in 1 : vector<512x1xi32>, vector<512x1xi32>, vector<512x1xi32> -> vector<512x3xi32>
    %mul3A_104 = arith.constant 1024 : i32
    %mul3A_105 = arith.muli %arg0, %mul3A_104 : i32
    %add3A_106 = vector.broadcast %mul3A_105 : i32 to vector<512x3xi32>
    %add3A_107 = arith.addi %concatenate3A_103, %add3A_106 : vector<512x3xi32>
    %swap3A = arith.constant 0 : index
    %swap3A_108 = arith.constant 0 : index
    %swap3A_109 = arith.constant 0 : index
    %swap3A_110 = vector.load %arg4[%swap3A, %swap3A_108, %swap3A_109] : memref<1x1024x3xi32, #tpu.memory_space<vmem>>, vector<1x512x3xi32>
    %swap3A_111 = vector.shape_cast %swap3A_110 : vector<1x512x3xi32> to vector<512x3xi32>
    %swap3A_112 = vector.shape_cast %add3A_107 : vector<512x3xi32> to vector<1x512x3xi32>
    tpu.vector_store %arg4[%swap3A, %swap3A_108, %swap3A_109], %swap3A_112 {strides = array<i32>} : memref<1x1024x3xi32, #tpu.memory_space<vmem>>, vector<1x512x3xi32>,
    %swap3A_113 = arith.constant 0 : index
    %swap3A_114 = arith.constant 0 : index
    %swap3A_115 = arith.constant 0 : index
    %swap3A_116 = vector.load %arg5[%swap3A_113, %swap3A_114, %swap3A_115] : memref<1x1024x16xf32, #tpu.memory_space<vmem>>, vector<1x512x16xf32>
    %swap3A_117 = vector.shape_cast %swap3A_116 : vector<1x512x16xf32> to vector<512x16xf32>
    %swap3A_118 = vector.shape_cast %div3A_102 : vector<512x16xf32> to vector<1x512x16xf32>
    tpu.vector_store %arg5[%swap3A_113, %swap3A_114, %swap3A_115], %swap3A_118 {strides = array<i32>} : memref<1x1024x16xf32, #tpu.memory_space<vmem>>, vector<1x512x16xf32>,
    %get3A_119 = arith.constant 0 : index
    %get3A_120 = arith.constant 512 : index
    %get3A_121 = arith.constant 0 : index
    %get3A_122 = vector.load %arg2[%get3A_119, %get3A_120, %get3A_121] : memref<1x1024x3xf32, #tpu.memory_space<vmem>>, vector<1x512x3xf32>
    %get3A_123 = vector.shape_cast %get3A_122 : vector<1x512x3xf32> to vector<512x3xf32>
    %mul3A_124 = arith.mulf %get3A_123, %get3A_123 : vector<512x3xf32>
    %reduce_sum3A_125 = arith.constant dense<0.000000e+00> : vector<512xf32>
    %reduce_sum3A_126 = vector.multi_reduction <add>, %mul3A_124, %reduce_sum3A_125 [1] : vector<512x3xf32> to vector<512xf32>
    %broadcast_in_dim3A_127 = vector.shape_cast %reduce_sum3A_126 : vector<512xf32> to vector<512x1xf32>
    %slice3A_128 = vector.extract_strided_slice %get3A_123 {offsets = [0, 0], sizes = [512, 1], strides = [1, 1]} : vector<512x3xf32> to vector<512x1xf32>
    %squeeze3A_129 = vector.shape_cast %slice3A_128 : vector<512x1xf32> to vector<512xf32>
    %mul3A_130 = arith.constant -2.000000e+00 : f32
    %mul3A_131 = vector.broadcast %mul3A_130 : f32 to vector<512xf32>
    %mul3A_132 = arith.mulf %mul3A_131, %squeeze3A_129 : vector<512xf32>
    %broadcast_in_dim3A_133 = vector.shape_cast %mul3A_132 : vector<512xf32> to vector<512x1xf32>
    %slice3A_134 = vector.extract_strided_slice %get3A_3 {offsets = [0, 0], sizes = [1, 1024], strides = [1, 1]} : vector<8x1024xf32> to vector<1x1024xf32>
    %squeeze3A_135 = vector.shape_cast %slice3A_134 : vector<1x1024xf32> to vector<1024xf32>
    %broadcast_in_dim3A_136 = vector.shape_cast %squeeze3A_135 : vector<1024xf32> to vector<1x1024xf32>
    %mul3A_137 = vector.broadcast %broadcast_in_dim3A_133 : vector<512x1xf32> to vector<512x1024xf32>
    %mul3A_138 = vector.broadcast %broadcast_in_dim3A_136 : vector<1x1024xf32> to vector<512x1024xf32>
    %mul3A_139 = arith.mulf %mul3A_137, %mul3A_138 : vector<512x1024xf32>
    %slice3A_140 = vector.extract_strided_slice %get3A_123 {offsets = [0, 1], sizes = [512, 1], strides = [1, 1]} : vector<512x3xf32> to vector<512x1xf32>
    %squeeze3A_141 = vector.shape_cast %slice3A_140 : vector<512x1xf32> to vector<512xf32>
    %mul3A_142 = arith.constant -2.000000e+00 : f32
    %mul3A_143 = vector.broadcast %mul3A_142 : f32 to vector<512xf32>
    %mul3A_144 = arith.mulf %mul3A_143, %squeeze3A_141 : vector<512xf32>
    %broadcast_in_dim3A_145 = vector.shape_cast %mul3A_144 : vector<512xf32> to vector<512x1xf32>
    %slice3A_146 = vector.extract_strided_slice %get3A_3 {offsets = [1, 0], sizes = [1, 1024], strides = [1, 1]} : vector<8x1024xf32> to vector<1x1024xf32>
    %squeeze3A_147 = vector.shape_cast %slice3A_146 : vector<1x1024xf32> to vector<1024xf32>
    %broadcast_in_dim3A_148 = vector.shape_cast %squeeze3A_147 : vector<1024xf32> to vector<1x1024xf32>
    %mul3A_149 = vector.broadcast %broadcast_in_dim3A_145 : vector<512x1xf32> to vector<512x1024xf32>
    %mul3A_150 = vector.broadcast %broadcast_in_dim3A_148 : vector<1x1024xf32> to vector<512x1024xf32>
    %mul3A_151 = arith.mulf %mul3A_149, %mul3A_150 : vector<512x1024xf32>
    %add3A_152 = arith.addf %mul3A_139, %mul3A_151 : vector<512x1024xf32>
    %slice3A_153 = vector.extract_strided_slice %get3A_123 {offsets = [0, 2], sizes = [512, 1], strides = [1, 1]} : vector<512x3xf32> to vector<512x1xf32>
    %squeeze3A_154 = vector.shape_cast %slice3A_153 : vector<512x1xf32> to vector<512xf32>
    %mul3A_155 = arith.constant -2.000000e+00 : f32
    %mul3A_156 = vector.broadcast %mul3A_155 : f32 to vector<512xf32>
    %mul3A_157 = arith.mulf %mul3A_156, %squeeze3A_154 : vector<512xf32>
    %broadcast_in_dim3A_158 = vector.shape_cast %mul3A_157 : vector<512xf32> to vector<512x1xf32>
    %slice3A_159 = vector.extract_strided_slice %get3A_3 {offsets = [2, 0], sizes = [1, 1024], strides = [1, 1]} : vector<8x1024xf32> to vector<1x1024xf32>
    %squeeze3A_160 = vector.shape_cast %slice3A_159 : vector<1x1024xf32> to vector<1024xf32>
    %broadcast_in_dim3A_161 = vector.shape_cast %squeeze3A_160 : vector<1024xf32> to vector<1x1024xf32>
    %mul3A_162 = vector.broadcast %broadcast_in_dim3A_158 : vector<512x1xf32> to vector<512x1024xf32>
    %mul3A_163 = vector.broadcast %broadcast_in_dim3A_161 : vector<1x1024xf32> to vector<512x1024xf32>
    %mul3A_164 = arith.mulf %mul3A_162, %mul3A_163 : vector<512x1024xf32>
    %slice3A_165 = vector.extract_strided_slice %get3A_3 {offsets = [3, 0], sizes = [1, 1024], strides = [1, 1]} : vector<8x1024xf32> to vector<1x1024xf32>
    %squeeze3A_166 = vector.shape_cast %slice3A_165 : vector<1x1024xf32> to vector<1024xf32>
    %broadcast_in_dim3A_167 = vector.shape_cast %squeeze3A_166 : vector<1024xf32> to vector<1x1024xf32>
    %add3A_168 = vector.broadcast %broadcast_in_dim3A_167 : vector<1x1024xf32> to vector<512x1024xf32>
    %add3A_169 = arith.addf %mul3A_164, %add3A_168 : vector<512x1024xf32>
    %add3A_170 = arith.addf %add3A_152, %add3A_169 : vector<512x1024xf32>
    %iota3A_171 = tpu.iota {dimensions = array<i32: 1>} : vector<512x1024xi32>
    %reduce_min3A_172 = arith.constant dense<0x7F800000> : vector<512xf32>
    %reduce_min3A_173 = vector.multi_reduction <minimumf>, %add3A_170, %reduce_min3A_172 [1] : vector<512x1024xf32> to vector<512xf32>
    %broadcast_in_dim3A_174 = vector.shape_cast %reduce_min3A_173 : vector<512xf32> to vector<512x1xf32>
    %eq3A_175 = vector.broadcast %broadcast_in_dim3A_174 : vector<512x1xf32> to vector<512x1024xf32>
    %eq3A_176 = arith.cmpf oeq, %add3A_170, %eq3A_175 : vector<512x1024xf32>
    %jit3A_177 = arith.constant 1024 : i32
    %broadcast_in_dim3A_178 = vector.broadcast %jit3A_177 : i32 to vector<512x1024xi32>
    %select_n3A_179 = arith.select %eq3A_176, %iota3A_171, %broadcast_in_dim3A_178 : vector<512x1024xi1>, vector<512x1024xi32>
    %reduce_min3A_180 = arith.constant dense<2147483647> : vector<512xi32>
    %reduce_min3A_181 = vector.multi_reduction <minsi>, %select_n3A_179, %reduce_min3A_180 [1] : vector<512x1024xi32> to vector<512xi32>
    %broadcast_in_dim3A_182 = vector.shape_cast %reduce_min3A_181 : vector<512xi32> to vector<512x1xi32>
    %jit3A_183 = arith.constant 0x7F800000 : f32
    %broadcast_in_dim3A_184 = vector.broadcast %jit3A_183 : f32 to vector<512x1024xf32>
    %select_n3A_185 = arith.select %eq3A_176, %broadcast_in_dim3A_184, %add3A_170 : vector<512x1024xi1>, vector<512x1024xf32>
    %add3A_186 = arith.addf %broadcast_in_dim3A_174, %broadcast_in_dim3A_127 : vector<512x1xf32>
    %max3A_187 = arith.constant 1.000000e-24 : f32
    %max3A_188 = vector.broadcast %max3A_187 : f32 to vector<512x1xf32>
    %max3A_189 = arith.maximumf %add3A_186, %max3A_188 : vector<512x1xf32>
    %rsqrt3A_190 = math.rsqrt %max3A_189 : vector<512x1xf32>
    %reduce_min3A_191 = arith.constant dense<0x7F800000> : vector<512xf32>
    %reduce_min3A_192 = vector.multi_reduction <minimumf>, %select_n3A_185, %reduce_min3A_191 [1] : vector<512x1024xf32> to vector<512xf32>
    %broadcast_in_dim3A_193 = vector.shape_cast %reduce_min3A_192 : vector<512xf32> to vector<512x1xf32>
    %eq3A_194 = vector.broadcast %broadcast_in_dim3A_193 : vector<512x1xf32> to vector<512x1024xf32>
    %eq3A_195 = arith.cmpf oeq, %select_n3A_185, %eq3A_194 : vector<512x1024xf32>
    %jit3A_196 = arith.constant 1024 : i32
    %broadcast_in_dim3A_197 = vector.broadcast %jit3A_196 : i32 to vector<512x1024xi32>
    %select_n3A_198 = arith.select %eq3A_195, %iota3A_171, %broadcast_in_dim3A_197 : vector<512x1024xi1>, vector<512x1024xi32>
    %reduce_min3A_199 = arith.constant dense<2147483647> : vector<512xi32>
    %reduce_min3A_200 = vector.multi_reduction <minsi>, %select_n3A_198, %reduce_min3A_199 [1] : vector<512x1024xi32> to vector<512xi32>
    %broadcast_in_dim3A_201 = vector.shape_cast %reduce_min3A_200 : vector<512xi32> to vector<512x1xi32>
    %jit3A_202 = arith.constant 0x7F800000 : f32
    %broadcast_in_dim3A_203 = vector.broadcast %jit3A_202 : f32 to vector<512x1024xf32>
    %select_n3A_204 = arith.select %eq3A_195, %broadcast_in_dim3A_203, %select_n3A_185 : vector<512x1024xi1>, vector<512x1024xf32>
    %add3A_205 = arith.addf %broadcast_in_dim3A_193, %broadcast_in_dim3A_127 : vector<512x1xf32>
    %max3A_206 = arith.constant 1.000000e-24 : f32
    %max3A_207 = vector.broadcast %max3A_206 : f32 to vector<512x1xf32>
    %max3A_208 = arith.maximumf %add3A_205, %max3A_207 : vector<512x1xf32>
    %rsqrt3A_209 = math.rsqrt %max3A_208 : vector<512x1xf32>
    %reduce_min3A_210 = arith.constant dense<0x7F800000> : vector<512xf32>
    %reduce_min3A_211 = vector.multi_reduction <minimumf>, %select_n3A_204, %reduce_min3A_210 [1] : vector<512x1024xf32> to vector<512xf32>
    %broadcast_in_dim3A_212 = vector.shape_cast %reduce_min3A_211 : vector<512xf32> to vector<512x1xf32>
    %eq3A_213 = vector.broadcast %broadcast_in_dim3A_212 : vector<512x1xf32> to vector<512x1024xf32>
    %eq3A_214 = arith.cmpf oeq, %select_n3A_204, %eq3A_213 : vector<512x1024xf32>
    %jit3A_215 = arith.constant 1024 : i32
    %broadcast_in_dim3A_216 = vector.broadcast %jit3A_215 : i32 to vector<512x1024xi32>
    %select_n3A_217 = arith.select %eq3A_214, %iota3A_171, %broadcast_in_dim3A_216 : vector<512x1024xi1>, vector<512x1024xi32>
    %reduce_min3A_218 = arith.constant dense<2147483647> : vector<512xi32>
    %reduce_min3A_219 = vector.multi_reduction <minsi>, %select_n3A_217, %reduce_min3A_218 [1] : vector<512x1024xi32> to vector<512xi32>
    %broadcast_in_dim3A_220 = vector.shape_cast %reduce_min3A_219 : vector<512xi32> to vector<512x1xi32>
    %add3A_221 = arith.addf %broadcast_in_dim3A_212, %broadcast_in_dim3A_127 : vector<512x1xf32>
    %max3A_222 = arith.constant 1.000000e-24 : f32
    %max3A_223 = vector.broadcast %max3A_222 : f32 to vector<512x1xf32>
    %max3A_224 = arith.maximumf %add3A_221, %max3A_223 : vector<512x1xf32>
    %rsqrt3A_225 = math.rsqrt %max3A_224 : vector<512x1xf32>
    %add3A_226 = arith.addf %rsqrt3A_190, %rsqrt3A_209 : vector<512x1xf32>
    %add3A_227 = arith.addf %add3A_226, %rsqrt3A_225 : vector<512x1xf32>
    %broadcast_in_dim3A_228 = arith.constant 0.000000e+00 : f32
    %broadcast_in_dim3A_229 = vector.broadcast %broadcast_in_dim3A_228 : f32 to vector<512x13xf32>
    %concatenate3A_230 = tpu.concatenate %rsqrt3A_190, %rsqrt3A_209, %rsqrt3A_225, %broadcast_in_dim3A_229 in 1 : vector<512x1xf32>, vector<512x1xf32>, vector<512x1xf32>, vector<512x13xf32> -> vector<512x16xf32>
    %div3A_231 = vector.broadcast %add3A_227 : vector<512x1xf32> to vector<512x16xf32>
    %div3A_232 = arith.divf %concatenate3A_230, %div3A_231 : vector<512x16xf32>
    %concatenate3A_233 = tpu.concatenate %broadcast_in_dim3A_182, %broadcast_in_dim3A_201, %broadcast_in_dim3A_220 in 1 : vector<512x1xi32>, vector<512x1xi32>, vector<512x1xi32> -> vector<512x3xi32>
    %mul3A_234 = arith.constant 1024 : i32
    %mul3A_235 = arith.muli %arg0, %mul3A_234 : i32
    %add3A_236 = vector.broadcast %mul3A_235 : i32 to vector<512x3xi32>
    %add3A_237 = arith.addi %concatenate3A_233, %add3A_236 : vector<512x3xi32>
    %swap3A_238 = arith.constant 0 : index
    %swap3A_239 = arith.constant 512 : index
    %swap3A_240 = arith.constant 0 : index
    %swap3A_241 = vector.load %arg4[%swap3A_238, %swap3A_239, %swap3A_240] : memref<1x1024x3xi32, #tpu.memory_space<vmem>>, vector<1x512x3xi32>
    %swap3A_242 = vector.shape_cast %swap3A_241 : vector<1x512x3xi32> to vector<512x3xi32>
    %swap3A_243 = vector.shape_cast %add3A_237 : vector<512x3xi32> to vector<1x512x3xi32>
    tpu.vector_store %arg4[%swap3A_238, %swap3A_239, %swap3A_240], %swap3A_243 {strides = array<i32>} : memref<1x1024x3xi32, #tpu.memory_space<vmem>>, vector<1x512x3xi32>,
    %swap3A_244 = arith.constant 0 : index
    %swap3A_245 = arith.constant 512 : index
    %swap3A_246 = arith.constant 0 : index
    %swap3A_247 = vector.load %arg5[%swap3A_244, %swap3A_245, %swap3A_246] : memref<1x1024x16xf32, #tpu.memory_space<vmem>>, vector<1x512x16xf32>
    %swap3A_248 = vector.shape_cast %swap3A_247 : vector<1x512x16xf32> to vector<512x16xf32>
    %swap3A_249 = vector.shape_cast %div3A_232 : vector<512x16xf32> to vector<1x512x16xf32>
    tpu.vector_store %arg5[%swap3A_244, %swap3A_245, %swap3A_246], %swap3A_249 {strides = array<i32>} : memref<1x1024x16xf32, #tpu.memory_space<vmem>>, vector<1x512x16xf32>,
    return
  }
  func.func @transform_0(%arg0: i32, %arg1: i32) -> (i32, i32, i32) {
    %c0_i32 = arith.constant 0 : i32
    %c0_i32_0 = arith.constant 0 : i32
    return %arg0, %arg1, %c0_i32 : i32, i32, i32
  }
  func.func @transform_1(%arg0: i32, %arg1: i32) -> (i32, i32, i32) {
    %c0_i32 = arith.constant 0 : i32
    %c0_i32_0 = arith.constant 0 : i32
    %c0_i32_1 = arith.constant 0 : i32
    return %arg0, %c0_i32, %c0_i32_0 : i32, i32, i32
  }
  func.func @transform_2(%arg0: i32, %arg1: i32) -> (i32, i32, i32) {
    %c0_i32 = arith.constant 0 : i32
    %c0_i32_0 = arith.constant 0 : i32
    return %arg0, %arg1, %c0_i32 : i32, i32, i32
  }
  func.func @transform_3(%arg0: i32, %arg1: i32) -> (i32, i32, i32) {
    %c0_i32 = arith.constant 0 : i32
    %c0_i32_0 = arith.constant 0 : i32
    return %arg0, %arg1, %c0_i32 : i32, i32, i32
  }
}

</mosaic_0001>

<sc_bundles>
// kernel: kernel.4.cloned.1.call-start
scs
__scs_entry_jumppad:
0x0: {  	(pc) =	sbr.rel $0x88, $3  }
0x1: {  	(tag) =	ssettag $0x0;
	lr =	simm.s32 $0x1  }
0x2: {  	[smem:$0x3F9E] =	sst lr;
	_ =	strace $0xD0000000  }
0x3: {  	_ = 	snop  }
0x4: {  	_ = 	snop  }
0x5: {  	_ = 	snop  }
0x6: {  	_ = 	snop  }
0x7: {  	_ = 	snop  }
__scs_overlays_trampoline_lowered:
0x8: {  	[smem:$0x3FAD] =	sst s0  }
0x9: {  	[smem:$0x3FAE] =	sst s1  }
0xa: {  	[smem:$0x3FAF] =	sst s2  }
0xb: {  	[smem:$0x3FB0] =	sst s3  }
0xc: {  	[smem:$0x3FB1] =	sst s4  }
0xd: {  	[smem:$0x3FB2] =	sst s5  }
0xe: {  	[smem:$0x3FB3] =	sst s6  }
0xf: {  	[smem:$0x3FB4] =	sst s7  }
0x10: {  	[smem:$0x3FB5] =	sst s8  }
0x11: {  	[smem:$0x3FB6] =	sst s9;
	s0 =	simm.s32 @!p0 $0x0  }
0x12: {  	s1 =	sld [smem:$0x3F9C];
	s0 =	simm.s32 @p0 $0x1  }
0x13: {  	[smem:$0x3FB7] =	sst s0;
	s0 =	simm.s32 @!p1 $0x0  }
0x14: {  	s2 =	sld [smem:$0x3F9B];
	s0 =	simm.s32 @p1 $0x1  }
0x15: {  	[smem:$0x3FB8] =	sst s0;
	s0 =	simm.s32 @!p2 $0x0  }
0x16: {  	s3 =	sld [smem:$0x3FDB];
	s0 =	simm.s32 @p2 $0x1  }
0x17: {  	s4 =	simm.s32 $0x1BF5;
	[smem:$0x3FBA] =	sst s0  }
0x18: {  	s0 =	sld [smem:$0x3F9D];
	_ =	swait.ge [sflag:s4], $0x0  }
0x19: {  	s7 =	sld [smem:$0x3F9E]  }
0x1a: {  	s8 =	sadd.s32 $0xFFFFE003, lr  }
0x1b: {  	s9 =	sadd.s32 $0xFFFFFEF7, lr;
	s5 =	simm.s32 $0xFFFFFFFF;
	p2 =	slt.u32 s8, $0xFFFFF086  }
0x1c: {  	p1 =	slt.u32 s9, $0xF7A;
	s5 =	simm.s32 @!p2 $0x0  }
0x1d: {  	s5 =	simm.s32 @p1 $0x1;
	p0 =	seq.s32 s7, s2  }
0x1e: {  	s7 =	smul.u32 @!p0 $0xF7A, s2;
	p2 =	seq.s32 @!p0 s5, $0x0  }
0x1f: {  	s9 =	smul.u32 $0xF7A, s1;
	s8 =	simm.s32 @!p0 $0x1BF5;
	p2 =	por !p2, p0  }
0x20: {  	[sflag:s8] =	ssyncset.s32 @!p0 $0xFFFFF086;
	s6 =	sadd.s32 @!p0 s3, s7;
	s7 =	simm.s32 @!p0 $0x108  }
0x21: {  	s3 =	sadd.s32 s3, s9;
	s6 =	sadd.s32 @!p0 $0x88, s6;
	s7 =	simm.s32 @p2 $0x1082  }
0x22: {  	[simem:s7], [sflag:s8] =	dma.local @!p0 [hbm:s6], $0xF7A  }
0x23: {  	s9 =	sor.u32 $0xD0000000, s2;
	s6 =	simm.s32 $0x108;
	_ =	swait.ge @!p0 [sflag:s8], $0x0  }
0x24: {  	s3 =	sadd.s32 $0x88, s3;
	s6 =	simm.s32 @!p1 $0x1082;
	[sflag:s4] =	ssyncset.s32 $0xFFFFF086  }
0x25: {  	[simem:s6], [sflag:s4] =	dma.local [hbm:s3], $0xF7A  }
0x26: {  	[smem:$0x3F9E] =	sst s1;
	(tag) =	ssettag s2;
	_ =	strace s9  }
0x27: {  	s1 =	sld [smem:$0x3FAE]  }
0x28: {  	s2 =	sld [smem:$0x3FAF]  }
0x29: {  	s4 =	sld [smem:$0x3FB1]  }
0x2a: {  	p0 =	seq.s32 s5, $0x0;
	s5 =	sld [smem:$0x3FB2]  }
0x2b: {  	s6 =	sld [smem:$0x3FB3]  }
0x2c: {  	s7 =	sld [smem:$0x3FB4]  }
0x2d: {  	s3 =	simm.s32 $0x108;
	s8 =	sld [smem:$0x3FB5]  }
0x2e: {  	s3 =	simm.s32 @!p0 $0x1082;
	s9 =	sld [smem:$0x3FB6]  }
0x2f: {  	lr =	sadd.s32 s0, s3;
	s0 =	sld [smem:$0x3FAD]  }
0x30: {  	s3 =	sld [smem:$0x3FB0]  }
0x31: {  	[smem:$0x3FB9] =	sst s10  }
0x32: {  	s10 =	sld [smem:$0x3FB7];
	_ =	sdelay $0x3  }
0x33: {  	p0 =	seq.s32 s10, $0x1;
	s10 =	sld [smem:$0x3FB9];
	_ =	sdelay $0x3  }
0x34: {  	[smem:$0x3FB9] =	sst s10  }
0x35: {  	s10 =	sld [smem:$0x3FB8];
	_ =	sdelay $0x3  }
0x36: {  	p1 =	seq.s32 s10, $0x1;
	s10 =	sld [smem:$0x3FB9];
	_ =	sdelay $0x3  }
0x37: {  	[smem:$0x3FB9] =	sst s10  }
0x38: {  	s10 =	sld [smem:$0x3FBA]  }
0x39: {  	_ = 	snop;
	(pc) =	sbr.ind lr, $3  }
0x3a: {  	_ = 	snop  }
0x3b: {  	_ = 	snop  }
0x3c: {  	p2 =	seq.s32 s10, $0x1;
	s10 =	sld [smem:$0x3FB9]  }
0x3d: {  	_ =	shalt  }
0x3e: {  	_ =	shalt  }
0x3f: {  	_ =	shalt  }
0x40: {  	_ =	shalt  }
0x41: {  	_ =	shalt  }
0x42: {  	_ =	shalt  }
0x43: {  	_ =	shalt  }
0x44: {  	_ =	shalt  }
0x45: {  	_ =	shalt  }
0x46: {  	_ =	shalt  }
0x47: {  	_ =	shalt  }
0x48: {  	_ =	shalt  }
0x49: {  	_ =	shalt  }
0x4a: {  	_ =	shalt  }
0x4b: {  	_ =	shalt  }
0x4c: {  	_ =	shalt  }
0x4d: {  	_ =	shalt  }
0x4e: {  	_ =	shalt  }
0x4f: {  	_ =	shalt  }
0x50: {  	_ =	shalt  }
0x51: {  	_ =	shalt  }
0x52: {  	_ =	shalt  }
0x53: {  	_ =	shalt  }
0x54: {  	_ =	shalt  }
0x55: {  	_ =	shalt  }
0x56: {  	_ =	shalt  }
0x57: {  	_ =	shalt  }
0x58: {  	_ =	shalt  }
0x59: {  	_ =	shalt  }
0x5a: {  	_ =	shalt  }
0x5b: {  	_ =	shalt  }
0x5c: {  	_ =	shalt  }
0x5d: {  	_ =	shalt  }
0x5e: {  	_ =	shalt  }
0x5f: {  	_ =	shalt  }
0x60: {  	_ =	shalt  }
0x61: {  	_ =	shalt  }
0x62: {  	_ =	shalt  }
0x63: {  	_ =	shalt  }
0x64: {  	_ =	shalt  }
0x65: {  	_ =	shalt  }
0x66: {  	_ =	shalt  }
0x67: {  	_ =	shalt  }
0x68: {  	_ =	shalt  }
0x69: {  	_ =	shalt  }
0x6a: {  	_ =	shalt  }
0x6b: {  	_ =	shalt  }
0x6c: {  	_ =	shalt  }
0x6d: {  	_ =	shalt  }
0x6e: {  	_ =	shalt  }
0x6f: {  	_ =	shalt  }
0x70: {  	_ =	shalt  }
0x71: {  	_ =	shalt  }
0x72: {  	_ =	shalt  }
0x73: {  	_ =	shalt  }
0x74: {  	_ =	shalt  }
0x75: {  	_ =	shalt  }
0x76: {  	_ =	shalt  }
0x77: {  	_ =	shalt  }
0x78: {  	_ =	shalt  }
0x79: {  	_ =	shalt  }
0x7a: {  	_ =	shalt  }
0x7b: {  	_ =	shalt  }
0x7c: {  	_ =	shalt  }
0x7d: {  	_ =	shalt  }
0x7e: {  	_ =	shalt  }
0x7f: {  	_ =	shalt  }
0x80: {  	_ =	shalt  }
0x81: {  	_ =	shalt  }
0x82: {  	_ =	shalt  }
0x83: {  	_ =	shalt  }
0x84: {  	_ =	shalt  }
0x85: {  	_ =	shalt  }
0x86: {  	_ =	shalt  }
0x87: {  	_ =	shalt  }
.Lfunc_end0:
.L_simem_size_0:
called_computation.1_lowered:
.L_overlay_start_0:
0x88: {  	s2 =	sld [smem:$0x3FD9]  }
0x89: {  	s3 =	sld [smem:$0x3FFE];
	_ =	sdelay $0x1  }
0x8a: {  	s1 =	srdreg.scid  }
0x8b: {  	s0 =	sand.u32 $0x1, s1  }
0x8c: {  	s17 =	sshll.u32 s0, $0xA;
	s2 =	sadd.s32 s3, s2  }
0x8d: {  	s2 =	sadd.s32 s2, s17  }
0x8e: {  	[smem:$0x3FC5] =	sst s2  }
0x8f: {  	_ = 	snop  }
0x90: {  	s2 =	sld [smem:$0x3FD0];
	(tm) =	ssettm $0x1  }
0x91: {  	s18 =	sld [smem:$0x3FFB];
	_ =	sdelay $0x3  }
0x92: {  	_ =	strace s18  }
0x93: {  	s3 =	sld [smem:$0x3FFC];
	_ =	sdelay $0x3  }
0x94: {  	_ =	strace s3  }
0x95: {  	s3 =	sld [smem:$0x3FFD];
	_ =	sdelay $0x3  }
0x96: {  	_ =	strace s3  }
0x97: {  	_ =	strace $0x8FFFFFFF  }
0x98: {  	s19 =	sld [smem:$0x3FDB];
	_ =	sdelay $0x1  }
0x99: {  	s4 =	simm.s32 $_scs_section_size  }
0x9a: {  	s5 =	simm.s32 $_size__tile_overlayer_lowered;
	s6 =	simm.s32 $_tile_overlayer_lowered  }
0x9b: {  	s22 =	simm.s32 $0x1BFF;
	s21 =	sshll.u32 s6, $0x1;
	s3 =	sadd.s32 s4, s19  }
0x9c: {  	s7 =	simm.s32 $0x0;
	s20 =	sshll.u32 s5, $0x1;
	s5 =	sadd.s32 s21, s3  }
0x9d: {  	[timem:s7], [sflag:s22] =	dma.local [hbm:s5], s20  }
0x9e: {  	_ =	swait.ge [sflag:s22], s20  }
0x9f: {  	s4 =	ssub.s32 $0x0, s20;
	[sflag:s22] =	ssyncset.done $0x0  }
0xa0: {  	[sflag:s22] =	ssyncadd.s32 s4;
	_ =	sdelay $0x1  }
0xa1: {  	s23 =	simm.s32 $0x1B8B  }
0xa2: {  	_ =	swait.ge [sflag:s23], $0x1  }
0xa3: {  	[sflag:s23] =	ssyncset.done $0x0  }
0xa4: {  	s25 =	simm.s32 $0x1B8E;
	s24 =	sld [smem:$0x3FFE];
	[sflag:s23] =	ssyncadd.s32 $0xFFFFFFFF  }
0xa5: {  	s26 =	simm.s32 $execute0_lowered;
	[smem:$0x3FD2] =	sst s25  }
0xa6: {  	s5 =	sshll.u32 s26, $0x1;
	_ =	strace $0x80000046;
	[dreg:$0x1] =	wrdreg $0xFFFFFFFF  }
0xa7: {  	s28 =	simm.s32 $_size_execute0_lowered;
	s3 =	sadd.s32 s3, s5;
	[dreg:$0x0] =	wrdreg $0x0  }
0xa8: {  	s5 =	sshll.u32 s28, $0x1;
	[dreg:$0x2] =	wrdreg s3  }
0xa9: {  	[dreg:$0x3] =	wrdreg s5  }
0xaa: {  	[dreg:$0x4] =	wrdreg $0xC0  }
0xab: {  	_ =	task [dreg:s7], $0x5FFFF  }
0xac: {  	[dreg:$0x1] =	wrdreg $0xFFFFFFFF  }
0xad: {  	[dreg:$0x0] =	wrdreg $0x60  }
0xae: {  	[dreg:$0x2] =	wrdreg s24  }
0xaf: {  	[dreg:$0x3] =	wrdreg s2  }
0xb0: {  	[dreg:$0x4] =	wrdreg $0x9  }
0xb1: {  	_ =	task.clear_ibuf [dreg:s7], $0x5FFFF;
	_ =	strace $0x90000046  }
0xb2: {  	s29 =	simm.s32 $0x9;
	_ =	strace $0x80000048  }
0xb3: {  	_ =	swait.ge [sflag:s29], $0x1  }
0xb4: {  	[sflag:s29] =	ssyncadd.s32 $0xFFFFFFFF  }
0xb5: {  	_ =	strace $0x90000048  }
0xb6: {  	_ =	sfence  }
0xb7: {  	s30 =	sld [smem:$0x0];
	_ =	sdelay $0x2  }
0xb8: {  	s31 =	sshll.u32 s1, $0xD;
	s1 =	sshrl.u32 s1, $0x2  }
0xb9: {  	s3 =	sand.u32 $0x4000, s31;
	s1 =	sadd.s32 s1, s30  }
0xba: {  	s0 =	sor.u32 s3, s0;
	s1 =	sshll.u32 s1, $0x11  }
0xbb: {  	s0 =	sor.u32 s1, s0  }
0xbc: {  	s0 =	sadd.s32 $0x8F2B, s0  }
0xbd: {  	[sflag:s0] =	ssyncadd.remote.s32 $0x1  }
0xbe: {  	_ =	sfence.sel $0xFFFF  }
0xbf: {  	[dreg:$0x0] =	wrdreg $0xFFFFFFFF;
	(pc) =	sbr.abs _section_cstart, $3  }
0xc0: {  	[dreg:$0x1] =	wrdreg $0xFFFFFFFF  }
0xc1: {  	_ =	task.clear_ibuf [dreg:s7], $0x2FFFF;
	_ =	strace $0x9FFFFFFF  }
0xc2: {  	(tm) =	ssettm $0x7FFFFFFF  }
0xc3: {  	_ =	shalt  }
tec
execute0_lowered:
.L_overlay_start_1:
0x0: {  	(tag) =	ssettag $0x1  }
0x1: {  	s0 =	rddreg [dreg:$0x0]  }
0x2: {  	s1 =	simm.s32 $0x0;
	s29 =	srdreg.scid;
	s2 =	stileid.u32  }
0x3: {  	s9 =	simm.s32 $0x2;
	s10 =	simm.s32 $0x280;
	s11 =	simm.s32 $0xA80  }
0x4: {  	s12 =	simm.s32 $0x1280;
	s13 =	simm.s32 $0x1A80;
	s14 =	simm.s32 $0x2280  }
0x5: {  	s15 =	simm.s32 $0x2A80;
	s16 =	simm.s32 $0x3280;
	s17 =	simm.s32 $0x3A80  }
0x6: {  	s18 =	simm.s32 $0x4280;
	s19 =	simm.s32 $0x4A80;
	s20 =	simm.s32 $0x5280  }
0x7: {  	s21 =	simm.s32 $0x5A80;
	[smem:$0x7FF] =	sst s1;
	s1 =	sand.u32 $0x1, s29  }
0x8: {  	s22 =	simm.s32 $0x1;
	s23 =	simm.s32 $0x6280;
	s3 =	ssub.s32 $0x2, s1  }
0x9: {  	s4 =	sadd.s32 $0x800, s0;
	s5 =	sadd.s32 $0xC0800, s0;
	s30 =	sshrl.u32 s3, $0x1  }
0xa: {  	v2 =	vlaneseq.u32;
	s6 =	sadd.s32 $0xC3800, s0;
	s31 =	sshll.u32 s2, $0xB;
	s0 =	ssub.s32 s3, s30  }
0xb: {  	vm0 =	vmmov $0xffff;
	v1 =	vshrl.u32 v2, $0x3;
	_ =	strace $0x80000047;
	s1 =	sshll.u32 s1, $0xA;
	s0 =	smax.u32 s0, $0x1  }
0xc: {  	v0 =	vand.u32 $0x7, v2;
	v2 =	vor.u32 $0x8, v2;
	v1 =	vmul.u32 $0x8, v1;
	s7 =	sor.u32 s1, s31;
	s1 =	simm.s32 $0x0;
	[dreg:$0x3] =	wrdreg s0  }
.LBB2_1:
0xd: {  	[dreg:$0x4] =	wrdreg s1;
	s25 =	simm.s32 $0x0  }
.LBB2_2:
0xe: {  	s0 =	sshll.u32 s25, $0x5  }
0xf: {  	s26 =	sadd.s32 s7, s0  }
0x10: {  	s0 =	smul.u32 $0x3, s26;
	_ =	sdelay $0x1  }
0x11: {  	s0 =	sshrl.u32 s0, $0x3  }
0x12: {  	s28 =	simm.s32 $0x0;
	s0 =	sadd.s32 s5, s0  }
0x13: {  	[tilespmem:s28], [sflag:$0x2] =	stream.linear.gather [hbm4b:s0+s28], $0x60, $0x38;
	[tilespmem:$0x8280] =	vst v63  }
0x14: {  	_ =	swait.ge [sflag:s9], $0x60  }
0x15: {  	[sflag:s9] =	ssyncset.done $0x0  }
0x16: {  	[sflag:s9] =	ssyncadd.s32 $0xFFFFFFA0  }
0x17: {  	s24 =	sshll.u32 s26, $0x1;
	s1 =	rddreg [dreg:$0x1]  }
0x18: {  	s0 =	simm.s32 $0x80;
	s1 =	sadd.s32 s1, s24  }
0x19: {  	[tilespmem:s0], [sflag:$0x2] =	stream.linear.gather [hbm4b:s1+s28], $0x200, $0x38;
	[tilespmem:$0x8280] =	vst v63  }
0x1a: {  	_ =	swait.ge [sflag:s9], $0x200  }
0x1b: {  	[sflag:s9] =	ssyncset.done $0x0  }
0x1c: {  	[sflag:s9] =	ssyncadd.s32 $0xFFFFFE00  }
0x1d: {  	v3 =	vld [tilespmem:$0x0];
	_ =	sdelay $0x4  }
0x1e: {  	v4 =	vshll.u32 v3, $0x1  }
0x1f: {  	v3 =	vand.u32 $0x7, v3;
	v4 =	vand.u32 $0xFFFFFFF0, v4  }
0x20: {  	v3 =	vor.u32 v3, v4  }
0x21: {  	v4 =	vperm.xlane v3, v0;
	_ =	sdelay $0x1  }
0x22: {  	v3 =	vperm.xlane v3, v2;
	v4 =	vadd.s32 v1, v4;
	_ =	sdelay $0x1  }
0x23: {  	v3 =	vadd.s32 v1, v3;
	_ =	sdelay $0x2  }
0x24: {  	[tilespmem:s10], [sflag:$0x1] =	stream.indirect_vreg.gather [hbm4b:s4+s28], $0x80, v4, vm0, $0xb8;
	[tilespmem:$0x8280] =	vst v63  }
0x25: {  	_ = 	snop  }
0x26: {  	[tilespmem:s11], [sflag:$0x1] =	stream.indirect_vreg.gather [hbm4b:s4+s28], $0x80, v3, vm0, $0xb8;
	[tilespmem:$0x8280] =	vst v63  }
0x27: {  	v3 =	vld [tilespmem:$0x10];
	_ =	sdelay $0x4  }
0x28: {  	v4 =	vshll.u32 v3, $0x1  }
0x29: {  	v3 =	vand.u32 $0x7, v3;
	v4 =	vand.u32 $0xFFFFFFF0, v4  }
0x2a: {  	v3 =	vor.u32 v3, v4  }
0x2b: {  	v4 =	vperm.xlane v3, v0;
	_ =	sdelay $0x1  }
0x2c: {  	v3 =	vperm.xlane v3, v2;
	v4 =	vadd.s32 v1, v4;
	_ =	sdelay $0x1  }
0x2d: {  	v3 =	vadd.s32 v1, v3;
	_ =	sdelay $0x2  }
0x2e: {  	[tilespmem:s12], [sflag:$0x1] =	stream.indirect_vreg.gather [hbm4b:s4+s28], $0x80, v4, vm0, $0xb8;
	[tilespmem:$0x8280] =	vst v63  }
0x2f: {  	_ = 	snop  }
0x30: {  	[tilespmem:s13], [sflag:$0x1] =	stream.indirect_vreg.gather [hbm4b:s4+s28], $0x80, v3, vm0, $0xb8;
	[tilespmem:$0x8280] =	vst v63  }
0x31: {  	v3 =	vld [tilespmem:$0x20];
	_ =	sdelay $0x4  }
0x32: {  	v4 =	vshll.u32 v3, $0x1  }
0x33: {  	v3 =	vand.u32 $0x7, v3;
	v4 =	vand.u32 $0xFFFFFFF0, v4  }
0x34: {  	v3 =	vor.u32 v3, v4  }
0x35: {  	v4 =	vperm.xlane v3, v0;
	_ =	sdelay $0x1  }
0x36: {  	v3 =	vperm.xlane v3, v2;
	v4 =	vadd.s32 v1, v4;
	_ =	sdelay $0x1  }
0x37: {  	v3 =	vadd.s32 v1, v3;
	_ =	sdelay $0x2  }
0x38: {  	[tilespmem:s14], [sflag:$0x1] =	stream.indirect_vreg.gather [hbm4b:s4+s28], $0x80, v4, vm0, $0xb8;
	[tilespmem:$0x8280] =	vst v63  }
0x39: {  	_ = 	snop  }
0x3a: {  	[tilespmem:s15], [sflag:$0x1] =	stream.indirect_vreg.gather [hbm4b:s4+s28], $0x80, v3, vm0, $0xb8;
	[tilespmem:$0x8280] =	vst v63  }
0x3b: {  	v3 =	vld [tilespmem:$0x30];
	_ =	sdelay $0x4  }
0x3c: {  	v4 =	vshll.u32 v3, $0x1  }
0x3d: {  	v3 =	vand.u32 $0x7, v3;
	v4 =	vand.u32 $0xFFFFFFF0, v4  }
0x3e: {  	v3 =	vor.u32 v3, v4  }
0x3f: {  	v4 =	vperm.xlane v3, v0;
	_ =	sdelay $0x1  }
0x40: {  	v3 =	vperm.xlane v3, v2;
	v4 =	vadd.s32 v1, v4;
	_ =	sdelay $0x1  }
0x41: {  	v3 =	vadd.s32 v1, v3;
	_ =	sdelay $0x2  }
0x42: {  	[tilespmem:s16], [sflag:$0x1] =	stream.indirect_vreg.gather [hbm4b:s4+s28], $0x80, v4, vm0, $0xb8;
	[tilespmem:$0x8280] =	vst v63  }
0x43: {  	_ = 	snop  }
0x44: {  	[tilespmem:s17], [sflag:$0x1] =	stream.indirect_vreg.gather [hbm4b:s4+s28], $0x80, v3, vm0, $0xb8;
	[tilespmem:$0x8280] =	vst v63  }
0x45: {  	v3 =	vld [tilespmem:$0x40];
	_ =	sdelay $0x4  }
0x46: {  	v4 =	vshll.u32 v3, $0x1  }
0x47: {  	v3 =	vand.u32 $0x7, v3;
	v4 =	vand.u32 $0xFFFFFFF0, v4  }
0x48: {  	v3 =	vor.u32 v3, v4  }
0x49: {  	v4 =	vperm.xlane v3, v0;
	_ =	sdelay $0x1  }
0x4a: {  	v3 =	vperm.xlane v3, v2;
	v4 =	vadd.s32 v1, v4;
	_ =	sdelay $0x1  }
0x4b: {  	v3 =	vadd.s32 v1, v3;
	_ =	sdelay $0x2  }
0x4c: {  	[tilespmem:s18], [sflag:$0x1] =	stream.indirect_vreg.gather [hbm4b:s4+s28], $0x80, v4, vm0, $0xb8;
	[tilespmem:$0x8280] =	vst v63  }
0x4d: {  	_ = 	snop  }
0x4e: {  	[tilespmem:s19], [sflag:$0x1] =	stream.indirect_vreg.gather [hbm4b:s4+s28], $0x80, v3, vm0, $0xb8;
	[tilespmem:$0x8280] =	vst v63  }
0x4f: {  	v3 =	vld [tilespmem:$0x50];
	_ =	sdelay $0x4  }
0x50: {  	v4 =	vshll.u32 v3, $0x1  }
0x51: {  	v3 =	vand.u32 $0x7, v3;
	v4 =	vand.u32 $0xFFFFFFF0, v4  }
0x52: {  	v3 =	vor.u32 v3, v4  }
0x53: {  	v4 =	vperm.xlane v3, v0;
	_ =	sdelay $0x1  }
0x54: {  	v3 =	vperm.xlane v3, v2;
	v4 =	vadd.s32 v1, v4;
	_ =	sdelay $0x1  }
0x55: {  	v3 =	vadd.s32 v1, v3;
	_ =	sdelay $0x2  }
0x56: {  	[tilespmem:s20], [sflag:$0x1] =	stream.indirect_vreg.gather [hbm4b:s4+s28], $0x80, v4, vm0, $0xb8;
	[tilespmem:$0x8280] =	vst v63  }
0x57: {  	_ = 	snop  }
0x58: {  	[tilespmem:s21], [sflag:$0x1] =	stream.indirect_vreg.gather [hbm4b:s4+s28], $0x80, v3, vm0, $0xb8;
	[tilespmem:$0x8280] =	vst v63  }
0x59: {  	_ =	swait.ge [sflag:s22], $0x6000  }
0x5a: {  	s2 =	simm.s32 $0x100;
	s3 =	simm.s32 $0x80;
	[sflag:s22] =	ssyncset.done $0x0  }
0x5b: {  	s8 =	sand.u32 $0x7800, s28;
	s24 =	sand.u32 $0x380, s28;
	[sflag:s22] =	ssyncadd.s32 $0xFFFFA000  }
0x5c: {  	s3 =	sand.u32 $0x380, s3;
	s1 =	sand.u32 $0xF800, s2;
	s30 =	sor.u32 s24, s8;
	v3 =	vld [tilespmem:s0+$0x0]  }
0x5d: {  	s2 =	simm.s32 $0x200;
	s29 =	sor.u32 s3, s1;
	s3 =	simm.s32 $0x100;
	v6 =	vld [tilespmem:s30+$0x280]  }
0x5e: {  	s1 =	sand.u32 $0x380, s3;
	v7 =	vld [tilespmem:s29+$0x280];
	s0 =	sand.u32 $0xF800, s2  }
0x5f: {  	s31 =	sor.u32 s1, s0  }
0x60: {  	v8 =	vld [tilespmem:s31+$0x280]  }
0x61: {  	v5 =	vbroadcast v3, $0x0;
	v4 =	vbroadcast v3, $0x1  }
0x62: {  	v3 =	vbroadcast v3, $0x2  }
0x63: {  	v6 =	vmul.f32 v6, v5;
	v7 =	vmul.f32 v7, v4;
	_ =	sdelay $0x1  }
0x64: {  	v6 =	vadd.f32 v7, v6;
	v7 =	vmul.f32 v8, v3;
	_ =	sdelay $0x1  }
0x65: {  	s8 =	sand.u32 $0x1800, s28;
	s24 =	sand.u32 $0x380, s28;
	v6 =	vadd.f32 v7, v6  }
0x66: {  	s0 =	sor.u32 s24, s8  }
0x67: {  	[tilespmem:s0+$0x6280] =	vst v6  }
0x68: {  	v6 =	vld [tilespmem:s30+$0x290]  }
0x69: {  	v7 =	vld [tilespmem:s29+$0x290];
	_ =	sdelay $0x1  }
0x6a: {  	v8 =	vld [tilespmem:s31+$0x290];
	_ =	sdelay $0x2  }
0x6b: {  	v6 =	vmul.f32 v6, v5;
	v7 =	vmul.f32 v7, v4;
	_ =	sdelay $0x1  }
0x6c: {  	v6 =	vadd.f32 v7, v6;
	v7 =	vmul.f32 v8, v3;
	_ =	sdelay $0x1  }
0x6d: {  	v6 =	vadd.f32 v7, v6;
	_ =	sdelay $0x1  }
0x6e: {  	[tilespmem:s0+$0x6290] =	vst v6  }
0x6f: {  	v6 =	vld [tilespmem:s30+$0x2A0]  }
0x70: {  	v7 =	vld [tilespmem:s29+$0x2A0];
	_ =	sdelay $0x1  }
0x71: {  	v8 =	vld [tilespmem:s31+$0x2A0];
	_ =	sdelay $0x2  }
0x72: {  	v6 =	vmul.f32 v6, v5;
	v7 =	vmul.f32 v7, v4;
	_ =	sdelay $0x1  }
0x73: {  	v8 =	vmul.f32 v8, v3;
	v6 =	vadd.f32 v7, v6;
	_ =	sdelay $0x1  }
0x74: {  	v6 =	vadd.f32 v8, v6;
	_ =	sdelay $0x1  }
0x75: {  	[tilespmem:s0+$0x62A0] =	vst v6  }
0x76: {  	v6 =	vld [tilespmem:s30+$0x2B0]  }
0x77: {  	v7 =	vld [tilespmem:s29+$0x2B0];
	_ =	sdelay $0x1  }
0x78: {  	v8 =	vld [tilespmem:s31+$0x2B0];
	_ =	sdelay $0x2  }
0x79: {  	v6 =	vmul.f32 v6, v5;
	v7 =	vmul.f32 v7, v4;
	_ =	sdelay $0x1  }
0x7a: {  	v6 =	vadd.f32 v7, v6;
	v7 =	vmul.f32 v8, v3;
	_ =	sdelay $0x1  }
0x7b: {  	v6 =	vadd.f32 v7, v6;
	_ =	sdelay $0x1  }
0x7c: {  	[tilespmem:s0+$0x62B0] =	vst v6  }
0x7d: {  	v6 =	vld [tilespmem:s30+$0x2C0]  }
0x7e: {  	v7 =	vld [tilespmem:s29+$0x2C0];
	_ =	sdelay $0x1  }
0x7f: {  	v8 =	vld [tilespmem:s31+$0x2C0];
	_ =	sdelay $0x2  }
0x80: {  	v6 =	vmul.f32 v6, v5;
	v7 =	vmul.f32 v7, v4;
	_ =	sdelay $0x1  }
0x81: {  	v8 =	vmul.f32 v8, v3;
	v6 =	vadd.f32 v7, v6;
	_ =	sdelay $0x1  }
0x82: {  	v6 =	vadd.f32 v8, v6;
	_ =	sdelay $0x1  }
0x83: {  	[tilespmem:s0+$0x62C0] =	vst v6  }
0x84: {  	v6 =	vld [tilespmem:s30+$0x2D0]  }
0x85: {  	v7 =	vld [tilespmem:s29+$0x2D0];
	_ =	sdelay $0x1  }
0x86: {  	v8 =	vld [tilespmem:s31+$0x2D0];
	_ =	sdelay $0x2  }
0x87: {  	v6 =	vmul.f32 v6, v5;
	v7 =	vmul.f32 v7, v4;
	_ =	sdelay $0x1  }
0x88: {  	v8 =	vmul.f32 v8, v3;
	v6 =	vadd.f32 v7, v6;
	_ =	sdelay $0x1  }
0x89: {  	v6 =	vadd.f32 v8, v6;
	_ =	sdelay $0x1  }
0x8a: {  	[tilespmem:s0+$0x62D0] =	vst v6  }
0x8b: {  	v6 =	vld [tilespmem:s30+$0x2E0]  }
0x8c: {  	v7 =	vld [tilespmem:s29+$0x2E0];
	_ =	sdelay $0x1  }
0x8d: {  	v8 =	vld [tilespmem:s31+$0x2E0];
	_ =	sdelay $0x2  }
0x8e: {  	v6 =	vmul.f32 v6, v5;
	v7 =	vmul.f32 v7, v4;
	_ =	sdelay $0x1  }
0x8f: {  	v8 =	vmul.f32 v8, v3;
	v6 =	vadd.f32 v7, v6;
	_ =	sdelay $0x1  }
0x90: {  	v6 =	vadd.f32 v8, v6;
	_ =	sdelay $0x1  }
0x91: {  	[tilespmem:s0+$0x62E0] =	vst v6  }
0x92: {  	v6 =	vld [tilespmem:s30+$0x2F0]  }
0x93: {  	v7 =	vld [tilespmem:s29+$0x2F0];
	_ =	sdelay $0x1  }
0x94: {  	v8 =	vld [tilespmem:s31+$0x2F0];
	_ =	sdelay $0x2  }
0x95: {  	v6 =	vmul.f32 v6, v5;
	v7 =	vmul.f32 v7, v4;
	_ =	sdelay $0x1  }
0x96: {  	v8 =	vmul.f32 v8, v3;
	v6 =	vadd.f32 v7, v6;
	_ =	sdelay $0x1  }
0x97: {  	v6 =	vadd.f32 v8, v6;
	_ =	sdelay $0x1  }
0x98: {  	[tilespmem:s0+$0x62F0] =	vst v6  }
0x99: {  	v6 =	vld [tilespmem:s30+$0x680]  }
0x9a: {  	v7 =	vld [tilespmem:s29+$0x680];
	_ =	sdelay $0x1  }
0x9b: {  	v8 =	vld [tilespmem:s31+$0x680];
	_ =	sdelay $0x2  }
0x9c: {  	v6 =	vmul.f32 v6, v5;
	v7 =	vmul.f32 v7, v4;
	_ =	sdelay $0x1  }
0x9d: {  	v8 =	vmul.f32 v8, v3;
	v6 =	vadd.f32 v7, v6;
	_ =	sdelay $0x1  }
0x9e: {  	v6 =	vadd.f32 v8, v6;
	_ =	sdelay $0x1  }
0x9f: {  	[tilespmem:s0+$0x6680] =	vst v6  }
0xa0: {  	v6 =	vld [tilespmem:s30+$0x690]  }
0xa1: {  	v7 =	vld [tilespmem:s29+$0x690];
	_ =	sdelay $0x1  }
0xa2: {  	v8 =	vld [tilespmem:s31+$0x690];
	_ =	sdelay $0x2  }
0xa3: {  	v6 =	vmul.f32 v6, v5;
	v7 =	vmul.f32 v7, v4;
	_ =	sdelay $0x1  }
0xa4: {  	v8 =	vmul.f32 v8, v3;
	v6 =	vadd.f32 v7, v6;
	_ =	sdelay $0x1  }
0xa5: {  	v6 =	vadd.f32 v8, v6;
	_ =	sdelay $0x1  }
0xa6: {  	[tilespmem:s0+$0x6690] =	vst v6  }
0xa7: {  	v6 =	vld [tilespmem:s30+$0x6A0]  }
0xa8: {  	v7 =	vld [tilespmem:s29+$0x6A0];
	_ =	sdelay $0x1  }
0xa9: {  	v8 =	vld [tilespmem:s31+$0x6A0];
	_ =	sdelay $0x2  }
0xaa: {  	v6 =	vmul.f32 v6, v5;
	v7 =	vmul.f32 v7, v4;
	_ =	sdelay $0x1  }
0xab: {  	v8 =	vmul.f32 v8, v3;
	v6 =	vadd.f32 v7, v6;
	_ =	sdelay $0x1  }
0xac: {  	v6 =	vadd.f32 v8, v6;
	_ =	sdelay $0x1  }
0xad: {  	[tilespmem:s0+$0x66A0] =	vst v6  }
0xae: {  	v6 =	vld [tilespmem:s30+$0x6B0]  }
0xaf: {  	v7 =	vld [tilespmem:s29+$0x6B0];
	_ =	sdelay $0x1  }
0xb0: {  	v8 =	vld [tilespmem:s31+$0x6B0];
	_ =	sdelay $0x2  }
0xb1: {  	v6 =	vmul.f32 v6, v5;
	v7 =	vmul.f32 v7, v4;
	_ =	sdelay $0x1  }
0xb2: {  	v6 =	vadd.f32 v7, v6;
	v7 =	vmul.f32 v8, v3;
	_ =	sdelay $0x1  }
0xb3: {  	v6 =	vadd.f32 v7, v6;
	_ =	sdelay $0x1  }
0xb4: {  	[tilespmem:s0+$0x66B0] =	vst v6  }
0xb5: {  	v6 =	vld [tilespmem:s29+$0x6C0]  }
0xb6: {  	v7 =	vld [tilespmem:s30+$0x6C0];
	_ =	sdelay $0x1  }
0xb7: {  	v8 =	vld [tilespmem:s31+$0x6C0];
	_ =	sdelay $0x2  }
0xb8: {  	v6 =	vmul.f32 v6, v4;
	v7 =	vmul.f32 v7, v5;
	_ =	sdelay $0x1  }
0xb9: {  	v8 =	vmul.f32 v8, v3;
	v6 =	vadd.f32 v6, v7;
	_ =	sdelay $0x1  }
0xba: {  	v6 =	vadd.f32 v8, v6;
	_ =	sdelay $0x1  }
0xbb: {  	[tilespmem:s0+$0x66C0] =	vst v6  }
0xbc: {  	v6 =	vld [tilespmem:s30+$0x6D0]  }
0xbd: {  	v7 =	vld [tilespmem:s29+$0x6D0];
	_ =	sdelay $0x1  }
0xbe: {  	v8 =	vld [tilespmem:s31+$0x6D0];
	_ =	sdelay $0x2  }
0xbf: {  	v6 =	vmul.f32 v6, v5;
	v7 =	vmul.f32 v7, v4;
	_ =	sdelay $0x1  }
0xc0: {  	v8 =	vmul.f32 v8, v3;
	v6 =	vadd.f32 v7, v6;
	_ =	sdelay $0x1  }
0xc1: {  	v6 =	vadd.f32 v8, v6;
	_ =	sdelay $0x1  }
0xc2: {  	[tilespmem:s0+$0x66D0] =	vst v6  }
0xc3: {  	v8 =	vld [tilespmem:s30+$0x6E0]  }
0xc4: {  	v6 =	vld [tilespmem:s29+$0x6E0]  }
0xc5: {  	s3 =	simm.s32 $0x180;
	v7 =	vld [tilespmem:s31+$0x6E0]  }
0xc6: {  	s8 =	simm.s32 $0x90;
	s24 =	simm.s32 $0x0;
	s1 =	simm.s32 $0x0  }
.LBB2_3:
0xc7: {  	s28 =	sadd.s32 $0x80, s28;
	s24 =	sadd.s32 $0x100, s24;
	s1 =	sadd.s32 $0x300, s1  }
0xc8: {  	p0 =	sne.s32 s3, $0x2E80;
	s2 =	smov.u32 s3;
	s3 =	sadd.s32 $0x180, s3;
	v8 =	vmul.f32 v8, v5  }
0xc9: {  	v6 =	vmul.f32 v6, v4  }
0xca: {  	v7 =	vmul.f32 v7, v3  }
0xcb: {  	v6 =	vadd.f32 v6, v8;
	_ =	sdelay $0x1  }
0xcc: {  	v6 =	vadd.f32 v7, v6;
	_ =	sdelay $0x1  }
0xcd: {  	[tilespmem:s0+$0x66E0] =	vst v6  }
0xce: {  	v6 =	vld [tilespmem:s30+$0x6F0]  }
0xcf: {  	v7 =	vld [tilespmem:s29+$0x6F0]  }
0xd0: {  	v8 =	vld [tilespmem:s31+$0x6F0];
	_ =	sdelay $0x2  }
0xd1: {  	v5 =	vmul.f32 v6, v5  }
0xd2: {  	s30 =	sadd.s32 $0x80, s2;
	s29 =	sadd.s32 $0x100, s1;
	v4 =	vmul.f32 v7, v4  }
0xd3: {  	s30 =	sand.u32 $0x380, s30;
	s29 =	sand.u32 $0xF800, s29;
	v3 =	vmul.f32 v8, v3  }
0xd4: {  	s29 =	sor.u32 s30, s29;
	v4 =	vadd.f32 v4, v5;
	_ =	sdelay $0x1  }
0xd5: {  	v3 =	vadd.f32 v3, v4;
	_ =	sdelay $0x1  }
0xd6: {  	s31 =	sand.u32 $0x380, s2;
	s30 =	sand.u32 $0x7800, s1;
	[tilespmem:s0+$0x66F0] =	vst v3  }
0xd7: {  	s30 =	sor.u32 s31, s30;
	v3 =	vld [tilespmem:s8+$0x0]  }
0xd8: {  	s2 =	sadd.s32 $0x100, s2;
	s0 =	sadd.s32 $0x200, s1;
	v6 =	vld [tilespmem:s30+$0x280]  }
0xd9: {  	s2 =	sand.u32 $0x380, s2;
	s0 =	sand.u32 $0xF800, s0;
	v7 =	vld [tilespmem:s29+$0x280]  }
0xda: {  	s31 =	sor.u32 s2, s0  }
0xdb: {  	v8 =	vld [tilespmem:s31+$0x280]  }
0xdc: {  	v5 =	vbroadcast v3, $0x0;
	v4 =	vbroadcast v3, $0x1  }
0xdd: {  	v3 =	vbroadcast v3, $0x2  }
0xde: {  	v6 =	vmul.f32 v6, v5;
	v7 =	vmul.f32 v7, v4;
	_ =	sdelay $0x1  }
0xdf: {  	v6 =	vadd.f32 v7, v6;
	v7 =	vmul.f32 v8, v3;
	_ =	sdelay $0x1  }
0xe0: {  	s0 =	sand.u32 $0x1800, s24;
	s2 =	sand.u32 $0x380, s28;
	v6 =	vadd.f32 v7, v6  }
0xe1: {  	s0 =	sor.u32 s2, s0  }
0xe2: {  	[tilespmem:s0+$0x6280] =	vst v6  }
0xe3: {  	v6 =	vld [tilespmem:s30+$0x290]  }
0xe4: {  	v7 =	vld [tilespmem:s29+$0x290];
	_ =	sdelay $0x1  }
0xe5: {  	v8 =	vld [tilespmem:s31+$0x290];
	_ =	sdelay $0x1  }
0xe6: {  	v6 =	vmul.f32 v6, v5  }
0xe7: {  	v7 =	vmul.f32 v7, v4;
	_ =	sdelay $0x1  }
0xe8: {  	v6 =	vadd.f32 v7, v6;
	v7 =	vmul.f32 v8, v3;
	_ =	sdelay $0x1  }
0xe9: {  	v6 =	vadd.f32 v7, v6;
	_ =	sdelay $0x1  }
0xea: {  	[tilespmem:s0+$0x6290] =	vst v6  }
0xeb: {  	v6 =	vld [tilespmem:s30+$0x2A0]  }
0xec: {  	v7 =	vld [tilespmem:s29+$0x2A0]  }
0xed: {  	v8 =	vld [tilespmem:s31+$0x2A0];
	_ =	sdelay $0x2  }
0xee: {  	v6 =	vmul.f32 v6, v5  }
0xef: {  	v7 =	vmul.f32 v7, v4  }
0xf0: {  	v8 =	vmul.f32 v8, v3  }
0xf1: {  	v6 =	vadd.f32 v7, v6;
	_ =	sdelay $0x1  }
0xf2: {  	v6 =	vadd.f32 v8, v6;
	_ =	sdelay $0x1  }
0xf3: {  	[tilespmem:s0+$0x62A0] =	vst v6  }
0xf4: {  	v6 =	vld [tilespmem:s30+$0x2B0]  }
0xf5: {  	v7 =	vld [tilespmem:s29+$0x2B0];
	_ =	sdelay $0x1  }
0xf6: {  	v8 =	vld [tilespmem:s31+$0x2B0];
	_ =	sdelay $0x1  }
0xf7: {  	v6 =	vmul.f32 v6, v5  }
0xf8: {  	v7 =	vmul.f32 v7, v4;
	_ =	sdelay $0x1  }
0xf9: {  	v6 =	vadd.f32 v7, v6;
	v7 =	vmul.f32 v8, v3;
	_ =	sdelay $0x1  }
0xfa: {  	v6 =	vadd.f32 v7, v6;
	_ =	sdelay $0x1  }
0xfb: {  	[tilespmem:s0+$0x62B0] =	vst v6  }
0xfc: {  	v6 =	vld [tilespmem:s30+$0x2C0]  }
0xfd: {  	v7 =	vld [tilespmem:s29+$0x2C0]  }
0xfe: {  	v8 =	vld [tilespmem:s31+$0x2C0];
	_ =	sdelay $0x2  }
0xff: {  	v6 =	vmul.f32 v6, v5  }
0x100: {  	v7 =	vmul.f32 v7, v4  }
0x101: {  	v8 =	vmul.f32 v8, v3  }
0x102: {  	v6 =	vadd.f32 v7, v6;
	_ =	sdelay $0x1  }
0x103: {  	v6 =	vadd.f32 v8, v6;
	_ =	sdelay $0x1  }
0x104: {  	[tilespmem:s0+$0x62C0] =	vst v6  }
0x105: {  	v6 =	vld [tilespmem:s30+$0x2D0]  }
0x106: {  	v7 =	vld [tilespmem:s29+$0x2D0]  }
0x107: {  	v8 =	vld [tilespmem:s31+$0x2D0];
	_ =	sdelay $0x2  }
0x108: {  	v6 =	vmul.f32 v6, v5  }
0x109: {  	v7 =	vmul.f32 v7, v4  }
0x10a: {  	v8 =	vmul.f32 v8, v3  }
0x10b: {  	v6 =	vadd.f32 v7, v6;
	_ =	sdelay $0x1  }
0x10c: {  	v6 =	vadd.f32 v8, v6;
	_ =	sdelay $0x1  }
0x10d: {  	[tilespmem:s0+$0x62D0] =	vst v6  }
0x10e: {  	v6 =	vld [tilespmem:s30+$0x2E0]  }
0x10f: {  	v7 =	vld [tilespmem:s29+$0x2E0]  }
0x110: {  	v8 =	vld [tilespmem:s31+$0x2E0];
	_ =	sdelay $0x2  }
0x111: {  	v6 =	vmul.f32 v6, v5  }
0x112: {  	v7 =	vmul.f32 v7, v4  }
0x113: {  	v8 =	vmul.f32 v8, v3  }
0x114: {  	v6 =	vadd.f32 v7, v6;
	_ =	sdelay $0x1  }
0x115: {  	v6 =	vadd.f32 v8, v6;
	_ =	sdelay $0x1  }
0x116: {  	[tilespmem:s0+$0x62E0] =	vst v6  }
0x117: {  	v6 =	vld [tilespmem:s30+$0x2F0]  }
0x118: {  	v7 =	vld [tilespmem:s29+$0x2F0]  }
0x119: {  	v8 =	vld [tilespmem:s31+$0x2F0];
	_ =	sdelay $0x2  }
0x11a: {  	v6 =	vmul.f32 v6, v5  }
0x11b: {  	v7 =	vmul.f32 v7, v4  }
0x11c: {  	v8 =	vmul.f32 v8, v3  }
0x11d: {  	v6 =	vadd.f32 v7, v6;
	_ =	sdelay $0x1  }
0x11e: {  	v6 =	vadd.f32 v8, v6;
	_ =	sdelay $0x1  }
0x11f: {  	[tilespmem:s0+$0x62F0] =	vst v6  }
0x120: {  	v6 =	vld [tilespmem:s30+$0x680]  }
0x121: {  	v7 =	vld [tilespmem:s29+$0x680]  }
0x122: {  	v8 =	vld [tilespmem:s31+$0x680];
	_ =	sdelay $0x2  }
0x123: {  	v6 =	vmul.f32 v6, v5  }
0x124: {  	v7 =	vmul.f32 v7, v4  }
0x125: {  	v8 =	vmul.f32 v8, v3  }
0x126: {  	v6 =	vadd.f32 v7, v6;
	_ =	sdelay $0x1  }
0x127: {  	v6 =	vadd.f32 v8, v6;
	_ =	sdelay $0x1  }
0x128: {  	[tilespmem:s0+$0x6680] =	vst v6  }
0x129: {  	v6 =	vld [tilespmem:s30+$0x690]  }
0x12a: {  	v7 =	vld [tilespmem:s29+$0x690]  }
0x12b: {  	v8 =	vld [tilespmem:s31+$0x690];
	_ =	sdelay $0x2  }
0x12c: {  	v6 =	vmul.f32 v6, v5  }
0x12d: {  	v7 =	vmul.f32 v7, v4  }
0x12e: {  	v8 =	vmul.f32 v8, v3  }
0x12f: {  	v6 =	vadd.f32 v7, v6;
	_ =	sdelay $0x1  }
0x130: {  	v6 =	vadd.f32 v8, v6;
	_ =	sdelay $0x1  }
0x131: {  	[tilespmem:s0+$0x6690] =	vst v6  }
0x132: {  	v6 =	vld [tilespmem:s30+$0x6A0]  }
0x133: {  	v7 =	vld [tilespmem:s29+$0x6A0]  }
0x134: {  	v8 =	vld [tilespmem:s31+$0x6A0];
	_ =	sdelay $0x2  }
0x135: {  	v6 =	vmul.f32 v6, v5  }
0x136: {  	v7 =	vmul.f32 v7, v4  }
0x137: {  	v8 =	vmul.f32 v8, v3  }
0x138: {  	v6 =	vadd.f32 v7, v6;
	_ =	sdelay $0x1  }
0x139: {  	v6 =	vadd.f32 v8, v6;
	_ =	sdelay $0x1  }
0x13a: {  	[tilespmem:s0+$0x66A0] =	vst v6  }
0x13b: {  	v6 =	vld [tilespmem:s30+$0x6B0]  }
0x13c: {  	v7 =	vld [tilespmem:s29+$0x6B0]  }
0x13d: {  	v8 =	vld [tilespmem:s31+$0x6B0];
	_ =	sdelay $0x2  }
0x13e: {  	v6 =	vmul.f32 v6, v5  }
0x13f: {  	v7 =	vmul.f32 v7, v4;
	_ =	sdelay $0x1  }
0x140: {  	v6 =	vadd.f32 v7, v6;
	v7 =	vmul.f32 v8, v3;
	_ =	sdelay $0x1  }
0x141: {  	v6 =	vadd.f32 v7, v6;
	_ =	sdelay $0x1  }
0x142: {  	[tilespmem:s0+$0x66B0] =	vst v6  }
0x143: {  	v6 =	vld [tilespmem:s29+$0x6C0]  }
0x144: {  	v7 =	vld [tilespmem:s30+$0x6C0]  }
0x145: {  	v8 =	vld [tilespmem:s31+$0x6C0];
	_ =	sdelay $0x2  }
0x146: {  	v6 =	vmul.f32 v6, v4  }
0x147: {  	v7 =	vmul.f32 v7, v5  }
0x148: {  	v8 =	vmul.f32 v8, v3  }
0x149: {  	v6 =	vadd.f32 v6, v7;
	_ =	sdelay $0x1  }
0x14a: {  	v6 =	vadd.f32 v8, v6;
	_ =	sdelay $0x1  }
0x14b: {  	[tilespmem:s0+$0x66C0] =	vst v6  }
0x14c: {  	v6 =	vld [tilespmem:s30+$0x6D0]  }
0x14d: {  	v7 =	vld [tilespmem:s29+$0x6D0]  }
0x14e: {  	v8 =	vld [tilespmem:s31+$0x6D0];
	_ =	sdelay $0x2  }
0x14f: {  	v6 =	vmul.f32 v6, v5  }
0x150: {  	v7 =	vmul.f32 v7, v4  }
0x151: {  	v8 =	vmul.f32 v8, v3  }
0x152: {  	v6 =	vadd.f32 v7, v6;
	_ =	sdelay $0x1  }
0x153: {  	v6 =	vadd.f32 v8, v6;
	_ =	sdelay $0x1  }
.Ltmp0:
0x154: {  	[tilespmem:s0+$0x66D0] =	vst v6;
	(pc) =	sbr.rel @p0 .LBB2_3-.Ltmp0, $4  }
0x155: {  	v8 =	vld [tilespmem:s30+$0x6E0]  }
0x156: {  	v6 =	vld [tilespmem:s29+$0x6E0]  }
0x157: {  	v7 =	vld [tilespmem:s31+$0x6E0]  }
0x158: {  	s8 =	sadd.s32 $0x10, s8  }
0x159: {  	_ =	sdelay $0x1  }
0x15a: {  	v8 =	vmul.f32 v8, v5;
	v6 =	vmul.f32 v6, v4;
	_ =	sdelay $0x1  }
0x15b: {  	v7 =	vmul.f32 v7, v3;
	v6 =	vadd.f32 v6, v8;
	_ =	sdelay $0x1  }
0x15c: {  	v6 =	vadd.f32 v7, v6;
	_ =	sdelay $0x1  }
0x15d: {  	[tilespmem:s0+$0x66E0] =	vst v6  }
0x15e: {  	v6 =	vld [tilespmem:s30+$0x6F0]  }
0x15f: {  	v60 =	vld [tilespmem:s29+$0x6F0];
	_ =	sdelay $0x1  }
0x160: {  	v61 =	vld [tilespmem:s31+$0x6F0];
	_ =	sdelay $0x2  }
0x161: {  	v62 =	vmul.f32 v6, v5;
	v63 =	vmul.f32 v60, v4;
	_ =	sdelay $0x1  }
0x162: {  	v3 =	vmul.f32 v61, v3;
	v4 =	vadd.f32 v63, v62;
	_ =	sdelay $0x1  }
0x163: {  	s25 =	sadd.s32 $0x1, s25;
	v3 =	vadd.f32 v3, v4  }
0x164: {  	s1 =	sshll.u32 s26, $0x5;
	p0 =	sne.s32 s25, $0x20  }
.Ltmp1:
0x165: {  	s30 =	sadd.s32 s6, s1;
	s31 =	simm.s32 $0x0;
	[tilespmem:s0+$0x66F0] =	vst v3;
	(pc) =	sbr.rel @p0 .LBB2_2-.Ltmp1, $4  }
0x166: {  	[hbm4b:s30+s31] =	stream.linear.scatter [tilespmem:s23], [sflag:$0x2], $0x2000, $0x38;
	[tilespmem:$0x8280] =	vst v63  }
0x167: {  	_ =	swait.ge [sflag:s9], $0x2000  }
0x168: {  	[sflag:s9] =	ssyncset.done $0x0  }
0x169: {  	[sflag:s9] =	ssyncadd.s32 $0xFFFFE000  }
0x16a: {  	s1 =	rddreg [dreg:$0x4]  }
0x16b: {  	s0 =	rddreg [dreg:$0x3];
	s1 =	sadd.s32 $0x1, s1  }
0x16c: {  	p0 =	sne.s32 s1, s0  }
.Ltmp2:
0x16d: {  	_ = 	snop;
	(pc) =	sbr.rel @p0 .LBB2_1-.Ltmp2, $1  }
0x16e: {  	_ =	sdelay $0x3  }
0x16f: {  	_ =	sfence.sel $0x180000  }
0x170: {  	[bflag:$0x0] =	sbarrier.arrive $0xFFFF  }
0x171: {  	_ =	strace $0x90000047  }
0x172: {  	s0 =	stileid.u32;
	[bflag:$0x2] =	sbarrier.arrive $0xFFFF  }
0x173: {  	p0 =	sne.s32 s0, $0x0;
	s0 =	rddreg [dreg:$0x2]  }
0x174: {  	s0 =	sadd.s32 @!p0 $0x100000, s0  }
0x175: {  	[sflag:s0] =	ssyncadd.tile.s32 @!p0 $0x1;
	_ =	shalt  }
.Lfunc_end2:
_tile_overlayer_lowered:
.L_overlay_start_2:
0x176: {  	(tag) =	ssettag $0x2  }
0x177: {  	s0 =	rddreg [dreg:$0x0];
	s2 =	stileid.u32  }
0x178: {  	s1 =	rddreg [dreg:$0x1];
	p0 =	sne.s32 s2, $0x0  }
0x179: {  	s3 =	rddreg [dreg:$0x2];
	[bflag:$0x3] =	sbarrier.arrive $0xFFFF;
	s2 =	simm.s32 @!p0 $0x1C02  }
0x17a: {  	[timem:s3], [sflag:s2] =	dma.local @!p0 [hbm:s0], s1  }
0x17b: {  	s0 =	simm.s32 @!p0 $0x2  }
0x17c: {  	_ =	swait.ge @!p0 [sflag:s0], s1  }
0x17d: {  	s1 =	ssub.s32 @!p0 $0x0, s1;
	[sflag:s0] =	ssyncset.done @!p0 $0x0  }
0x17e: {  	[sflag:s0] =	ssyncadd.s32 @!p0 s1  }
0x17f: {  	[bflag:$0x3] =	sbarrier.arrive $0xFFFF  }
0x180: {  	_ =	shalt  }

// kernel: sparse-core-data-format-call.cloned.1.call-start
scs
called_computation_lowered:
.L_overlay_start_0:
0x0: {  	s2 =	sld [smem:$0x3FD9]  }
0x1: {  	s3 =	sld [smem:$0x3FFE];
	_ =	sdelay $0x1  }
0x2: {  	s1 =	srdreg.scid  }
0x3: {  	s0 =	sand.u32 $0x1, s1  }
0x4: {  	s18 =	sshll.u32 s0, $0xA;
	s2 =	sadd.s32 s3, s2  }
0x5: {  	s2 =	sadd.s32 s2, s18  }
0x6: {  	[smem:$0x3FC5] =	sst s2  }
0x7: {  	_ = 	snop  }
0x8: {  	s2 =	sld [smem:$0x3FD0];
	(tm) =	ssettm $0x1  }
0x9: {  	s19 =	sld [smem:$0x3FFB];
	_ =	sdelay $0x3  }
0xa: {  	_ =	strace s19  }
0xb: {  	s3 =	sld [smem:$0x3FFC];
	_ =	sdelay $0x3  }
0xc: {  	_ =	strace s3  }
0xd: {  	s3 =	sld [smem:$0x3FFD];
	_ =	sdelay $0x3  }
0xe: {  	_ =	strace s3  }
0xf: {  	_ =	strace $0x8FFFFFFF  }
0x10: {  	s20 =	sld [smem:$0x3FDB];
	_ =	sdelay $0x1  }
0x11: {  	s4 =	simm.s32 $_scs_section_size  }
0x12: {  	s5 =	simm.s32 $_size__tile_overlayer_lowered;
	s6 =	simm.s32 $_tile_overlayer_lowered  }
0x13: {  	s23 =	simm.s32 $0x1BFF;
	s22 =	sshll.u32 s6, $0x1;
	s3 =	sadd.s32 s4, s20  }
0x14: {  	s7 =	simm.s32 $0x0;
	s21 =	sshll.u32 s5, $0x1;
	s5 =	sadd.s32 s22, s3  }
0x15: {  	[timem:s7], [sflag:s23] =	dma.local [hbm:s5], s21  }
0x16: {  	_ =	swait.ge [sflag:s23], s21  }
0x17: {  	s4 =	ssub.s32 $0x0, s21;
	[sflag:s23] =	ssyncset.done $0x0  }
0x18: {  	[sflag:s23] =	ssyncadd.s32 s4;
	_ =	sdelay $0x1  }
0x19: {  	s24 =	simm.s32 $0x1B8B  }
0x1a: {  	_ =	swait.ge [sflag:s24], $0x1  }
0x1b: {  	[sflag:s24] =	ssyncset.done $0x0  }
0x1c: {  	s26 =	simm.s32 $0x1B8E;
	s25 =	sld [smem:$0x3FFE];
	[sflag:s24] =	ssyncadd.s32 $0xFFFFFFFF  }
0x1d: {  	s27 =	simm.s32 $execute0_lowered;
	[smem:$0x3FD2] =	sst s26  }
0x1e: {  	s5 =	sshll.u32 s27, $0x1;
	_ =	strace $0x80000049;
	[dreg:$0x1] =	wrdreg $0xFFFFFFFF  }
0x1f: {  	s28 =	simm.s32 $_size_execute0_lowered;
	s3 =	sadd.s32 s3, s5;
	[dreg:$0x0] =	wrdreg $0x0  }
0x20: {  	s5 =	sshll.u32 s28, $0x1;
	[dreg:$0x2] =	wrdreg s3  }
0x21: {  	[dreg:$0x3] =	wrdreg s5  }
0x22: {  	[dreg:$0x4] =	wrdreg $0xC0  }
0x23: {  	_ =	task [dreg:s7], $0x5FFFF  }
0x24: {  	[dreg:$0x1] =	wrdreg $0xFFFFFFFF  }
0x25: {  	[dreg:$0x0] =	wrdreg $0x60  }
0x26: {  	[dreg:$0x2] =	wrdreg s25  }
0x27: {  	[dreg:$0x3] =	wrdreg s2  }
0x28: {  	[dreg:$0x4] =	wrdreg $0x9  }
0x29: {  	_ =	task.clear_ibuf [dreg:s7], $0x5FFFF;
	_ =	strace $0x90000049  }
0x2a: {  	s29 =	simm.s32 $0x9;
	_ =	strace $0x8000004B  }
0x2b: {  	_ =	swait.ge [sflag:s29], $0x1  }
0x2c: {  	[sflag:s29] =	ssyncadd.s32 $0xFFFFFFFF  }
0x2d: {  	_ =	strace $0x9000004B  }
0x2e: {  	_ =	sfence  }
0x2f: {  	s30 =	sld [smem:$0x0];
	_ =	sdelay $0x2  }
0x30: {  	s31 =	sshll.u32 s1, $0xD;
	s1 =	sshrl.u32 s1, $0x2  }
0x31: {  	s3 =	sand.u32 $0x4000, s31;
	s1 =	sadd.s32 s1, s30  }
0x32: {  	s0 =	sor.u32 s3, s0;
	s1 =	sshll.u32 s1, $0x11  }
0x33: {  	s0 =	sor.u32 s1, s0  }
0x34: {  	s0 =	sadd.s32 $0x8F2B, s0  }
0x35: {  	[sflag:s0] =	ssyncadd.remote.s32 $0x1  }
0x36: {  	_ =	sfence.sel $0xFFFF  }
0x37: {  	[dreg:$0x0] =	wrdreg $0xFFFFFFFF;
	(pc) =	sbr.abs _section_cstart, $3  }
0x38: {  	[dreg:$0x1] =	wrdreg $0xFFFFFFFF  }
0x39: {  	_ =	task.clear_ibuf [dreg:s7], $0x2FFFF;
	_ =	strace $0x9FFFFFFF  }
0x3a: {  	(tm) =	ssettm $0x7FFFFFFF  }
0x3b: {  	_ =	shalt  }
tec
execute0_lowered:
.L_overlay_start_1:
0x0: {  	(tag) =	ssettag $0x1  }
0x1: {  	s0 =	stileid.u32;
	s4 =	rddreg [dreg:$0x0]  }
0x2: {  	s1 =	srdreg.scid;
	s2 =	rddreg [dreg:$0x1];
	s5 =	simm.s32 $0x1  }
0x3: {  	s8 =	simm.s32 $0x2;
	s16 =	simm.s32 $0x0;
	s14 =	simm.s32 $0x0  }
0x4: {  	s15 =	simm.s32 $0x0;
	s3 =	sshll.u32 s0, $0x4;
	s1 =	sshll.u32 s1, $0x8  }
0x5: {  	s10 =	simm.s32 $0x0;
	s13 =	simm.s32 $0x0;
	s3 =	sor.u32 s3, s1  }
0x6: {  	s1 =	rddreg [dreg:$0x2];
	_ =	strace $0x8000004A;
	s3 =	sand.u32 $0x180, s3  }
0x7: {  	s4 =	sadd.s32 $0xC3800, s4;
	[sflag:s5] =	ssyncpa.u1 $0x0;
	s6 =	ssub.s32 $0x1000, s3  }
.Ltmp0:
0x8: {  	[sflag:s8] =	ssyncpa.u1 $0x0;
	s7 =	sand.u32 $0x180, s6;
	(pc) =	sbr.rel .LBB1_1-.Ltmp0, $4  }
0x9: {  	s11 =	smov.u32 s3;
	p0 =	sne.s32 s7, $0x0;
	s7 =	simm.s32 $0x1  }
0xa: {  	s9 =	sshrl.u32 s6, $0x9;
	s6 =	sand.u32 $0x7, s0;
	s7 =	simm.s32 @!p0 $0x0  }
0xb: {  	s12 =	smov.u32 s6;
	p0 =	por $0x0, $0x0;
	s31 =	sadd.s32 s7, s9  }
0xc: {  	s9 =	simm.s32 $0x8000;
	s7 =	sshll.u32 s31, $0x1;
	s8 =	sshllo.u32 s31, $0x1  }
.LBB1_4:
0xd: {  	v5 =	vld [tilespmem:s19+$0xFFFFFFD0];
	[tilespmem:s20+$0x2040 ss:$0x81] =	vst.msk $0xffff, v1  }
0xe: {  	v58 =	vld [tilespmem:s19+$0xFFFFFFE0];
	[tilespmem:s20+$0x2850 ss:$0x81] =	vst.msk $0xffff, v2  }
0xf: {  	s21 =	sshra.s32 s21, $0x2;
	v59 =	vld [tilespmem:s19+$0xFFFFFFF0];
	[tilespmem:s20+$0x3060 ss:$0x81] =	vst.msk $0xffff, v3  }
0x10: {  	v60 =	vld [tilespmem:s19+$0x0];
	[tilespmem:s20+$0x0 ss:$0x81] =	vst.msk $0xffff, v0;
	s18 =	sadd.s32 s21, s18  }
0x11: {  	v61 =	vld [tilespmem:s19+$0x10];
	s26 =	sshll.u32 s16, $0xC;
	[tilespmem:s18+$0x3870 ss:$0x81] =	vst.msk $0xffff, v4  }
0x12: {  	v62 =	vld [tilespmem:s19+$0x20];
	s27 =	sand.u32 $0x78, s14;
	s22 =	sshll.u32 s14, $0x3;
	s29 =	sshll.u32 s16, $0x7;
	[tilespmem:s18+$0x810 ss:$0x81] =	vst.msk $0xffff, v5  }
0x13: {  	v63 =	vld [tilespmem:s19+$0xFFFFFFC0];
	s15 =	sshll.u32 s15, $0x11;
	s20 =	sand.u32 $0xF8000, s26;
	s28 =	sand.u32 $0xFFC00, s22;
	[tilespmem:s18+$0x1020 ss:$0x81] =	vst.msk $0xffff, v58  }
0x14: {  	s31 =	sand.u32 $0x7, s14;
	s22 =	sand.u32 $0xC00, s22;
	s19 =	sadd.s32 s28, s20;
	[tilespmem:s18+$0x1830 ss:$0x81] =	vst.msk $0xffff, v59  }
0x15: {  	s16 =	sand.u32 $0x380, s29;
	s30 =	sor.u32 s27, s22;
	s19 =	sshrl.u32 s19, $0x3;
	[tilespmem:s18+$0x2040 ss:$0x81] =	vst.msk $0xffff, v60  }
0x16: {  	s15 =	sadd.s32 s2, s15;
	s16 =	sor.u32 s16, s30;
	s19 =	sand.u32 $0x1FE00, s19;
	[tilespmem:s18+$0x2850 ss:$0x81] =	vst.msk $0xffff, v61  }
0x17: {  	s14 =	sshll.u32 s31, $0x12;
	s16 =	sshrl.u32 s16, $0x3;
	[tilespmem:s18+$0x3060 ss:$0x81] =	vst.msk $0xffff, v62;
	s15 =	sadd.s32 s19, s15  }
0x18: {  	s14 =	sor.u32 $0x400, s14;
	[tilespmem:s18+$0x0 ss:$0x81] =	vst.msk $0xffff, v63;
	s15 =	sadd.s32 s16, s15  }
0x19: {  	[hbm4b:s15+s14] =	stream.strided.scatter [tilespmem:s17], [sflag:$0x2], $0x4000, s9, s14, $0x20;
	[tilespmem:$0x10100] =	vst v63  }
.LBB1_5:
0x1a: {  	s17 =	sadd.s32 $0x80, s10  }
0x1b: {  	s14 =	sadd.s32 $0x200, s11;
	s18 =	smov.u32 s11;
	p2 =	sgt.s32 s17, $0xFF  }
0x1c: {  	s18 =	smov.u32 @p2 s14  }
0x1d: {  	s20 =	smov.u32 s12;
	s14 =	sadd.s32 $0x8, s12;
	p3 =	sgt.s32 s18, $0xFFF  }
0x1e: {  	s20 =	smov.u32 @p3 s14  }
0x1f: {  	s17 =	simm.s32 @p2 $0x0;
	p2 =	sgt.s32 s20, $0x7  }
0x20: {  	p1 =	slt.u32 s13, $0x2;
	s20 =	smov.u32 @p2 s6;
	p2 =	sne.s32 s13, s8  }
.Ltmp1:
0x21: {  	s19 =	simm.s32 @!p1 $0x2;
	(pc) =	sbr.rel @!p2 .LBB1_6-.Ltmp1, $4  }
0x22: {  	s16 =	smov.u32 s10;
	s15 =	smov.u32 s12;
	_ =	swait.ge @!p1 [sflag:s19], $0x4000  }
0x23: {  	p0 =	por !p0, !p0;
	[sflag:s19] =	ssyncset.done @!p1 $0x0;
	s10 =	smov.u32 s17  }
0x24: {  	s18 =	smov.u32 @p3 s3;
	s14 =	smov.u32 s11;
	[sflag:s19] =	ssyncadd.s32 @!p1 $0xFFFFC000  }
0x25: {  	s11 =	smov.u32 s18;
	s13 =	sadd.s32 $0x1, s13;
	s12 =	smov.u32 s20  }
.LBB1_1:
0x26: {  	p1 =	sge.u32 s13, s7  }
0x27: {  	s31 =	sadd.s32 $0xFFFFFFFF, s13;
	s17 =	sxor.u32 @!p1 $0xFFFFFFFF, s13  }
0x28: {  	s18 =	sshll.u32 @!p1 s11, $0x8;
	s19 =	sshll.u32 @!p1 s10, $0x3;
	s20 =	sshll.u32 @!p1 s11, $0x7  }
0x29: {  	s21 =	sand.u32 @!p1 $0x78, s10;
	s18 =	sand.u32 @!p1 $0xFF800, s18;
	s19 =	sand.u32 @!p1 $0xFFC00, s19  }
0x2a: {  	s17 =	sshll.u32 @!p1 s17, $0xE;
	s18 =	sadd.s32 @!p1 s18, s19;
	s19 =	sand.u32 @!p1 $0x300, s20  }
0x2b: {  	s17 =	sand.u32 @!p1 $0x4000, s17;
	s18 =	sor.u32 @!p1 s19, s18;
	s19 =	sand.u32 @!p1 $0x80, s20  }
0x2c: {  	s20 =	sshll.u32 @!p1 s12, $0x11;
	s19 =	sor.u32 @!p1 s21, s19;
	s18 =	sshrl.u32 @!p1 s18, $0x3  }
0x2d: {  	s20 =	sadd.s32 @!p1 s4, s20;
	s21 =	sand.u32 @!p1 $0x7, s10;
	s19 =	sshrl.u32 @!p1 s19, $0x3  }
0x2e: {  	s18 =	sand.u32 @!p1 $0x1FFE0, s18;
	s19 =	sadd.s32 @!p1 s19, s20;
	s20 =	sshll.u32 @!p1 s21, $0x12  }
0x2f: {  	s18 =	sadd.s32 @!p1 s18, s19;
	s19 =	sor.u32 @!p1 $0x400, s20;
	s20 =	simm.s32 @!p1 $0x800  }
0x30: {  	[tilespmem:s17], [sflag:$0x1] =	stream.strided.gather @!p1 [hbm4b:s18+s19], $0x4000, s20, s19, $0x38;
	[tilespmem:$0x10100] =	vst v63  }
0x31: {  	p1 =	sge.u32 s31, s7  }
.Ltmp2:
0x32: {  	_ = 	snop;
	(pc) =	sbr.rel @p1 .LBB1_5-.Ltmp2, $1  }
0x33: {  	_ =	sdelay $0x3  }
0x34: {  	s17 =	simm.s32 $0x1  }
0x35: {  	_ =	swait.ge [sflag:s5], $0x4000;
	s17 =	simm.s32 @!p0 $0x0  }
0x36: {  	[sflag:s5] =	ssyncset.done $0x0;
	s18 =	sshll.u32 s17, $0xE  }
0x37: {  	[sflag:s5] =	ssyncadd.s32 $0xFFFFC000;
	s19 =	sor.u32 $0x40, s18  }
0x38: {  	s17 =	smul.u32 $0x10200, s17;
	v0 =	vld [tilespmem:s19+$0x30]  }
0x39: {  	v3 =	vld [tilespmem:s19+$0xFFFFFFD0]  }
0x3a: {  	s17 =	sshrl.u32 s17, $0x2;
	v4 =	vld [tilespmem:s19+$0xFFFFFFE0]  }
0x3b: {  	v5 =	vld [tilespmem:s19+$0xFFFFFFF0];
	s18 =	sor.u32 $0x8000, s17  }
0x3c: {  	s31 =	sand.u32 $0x1, s13;
	v1 =	vld [tilespmem:s19+$0x0];
	s20 =	sadd.s32 $0x0, s18  }
0x3d: {  	v2 =	vld [tilespmem:s19+$0x10];
	s17 =	smul.u32 $0x10200, s31;
	[tilespmem:s20+$0x3870 ss:$0x81] =	vst.msk $0xffff, v0  }
0x3e: {  	[tilespmem:s20+$0x810 ss:$0x81] =	vst.msk $0xffff, v3;
	v3 =	vld [tilespmem:s19+$0x20]  }
0x3f: {  	s17 =	sshrl.u32 s17, $0x2;
	v0 =	vld [tilespmem:s19+$0xFFFFFFC0];
	[tilespmem:s20+$0x1020 ss:$0x81] =	vst.msk $0xffff, v4;
	s19 =	sadd.s32 $0x80, s19  }
0x40: {  	s21 =	simm.s32 $0x4;
	s22 =	simm.s32 $0x8;
	s17 =	sor.u32 $0x8000, s17;
	[tilespmem:s20+$0x1830 ss:$0x81] =	vst.msk $0xffff, v5;
	v4 =	vld [tilespmem:s19+$0x30]  }
.LBB1_3:
0x41: {  	p1 =	sne.s32 s22, $0x1FC;
	v5 =	vld [tilespmem:s19+$0xFFFFFFD0];
	[tilespmem:s20+$0x2040 ss:$0x81] =	vst.msk $0xffff, v1  }
0x42: {  	v6 =	vld [tilespmem:s19+$0xFFFFFFE0];
	[tilespmem:s20+$0x2850 ss:$0x81] =	vst.msk $0xffff, v2  }
0x43: {  	s23 =	sshra.s32 s21, $0x2;
	s21 =	smov.u32 s22;
	v7 =	vld [tilespmem:s19+$0xFFFFFFF0];
	[tilespmem:s20+$0x3060 ss:$0x81] =	vst.msk $0xffff, v3  }
.Ltmp3:
0x44: {  	v1 =	vld [tilespmem:s19+$0x0];
	[tilespmem:s20+$0x0 ss:$0x81] =	vst.msk $0xffff, v0;
	s20 =	sadd.s32 s23, s18;
	(pc) =	sbr.rel @p1 .LBB1_3-.Ltmp3, $4  }
0x45: {  	v2 =	vld [tilespmem:s19+$0x10];
	[tilespmem:s20+$0x3870 ss:$0x81] =	vst.msk $0xffff, v4  }
0x46: {  	[tilespmem:s20+$0x810 ss:$0x81] =	vst.msk $0xffff, v5;
	v3 =	vld [tilespmem:s19+$0x20]  }
0x47: {  	v0 =	vld [tilespmem:s19+$0xFFFFFFC0];
	[tilespmem:s20+$0x1020 ss:$0x81] =	vst.msk $0xffff, v6;
	s19 =	sadd.s32 $0x80, s19  }
0x48: {  	s22 =	sadd.s32 $0x4, s22;
	v4 =	vld [tilespmem:s19+$0x30];
	[tilespmem:s20+$0x1830 ss:$0x81] =	vst.msk $0xffff, v7  }
.Ltmp4:
0x49: {  	_ = 	snop;
	(pc) =	sbr.rel .LBB1_4-.Ltmp4, $1  }
0x4a: {  	_ =	sdelay $0x3  }
.LBB1_6:
0x4b: {  	_ =	sfence.sel $0x180000  }
0x4c: {  	s2 =	simm.s32 $0x1;
	[bflag:$0x0] =	sbarrier.arrive $0xFFFF  }
0x4d: {  	s31 =	simm.s32 $0x2;
	[sflag:s2] =	ssyncpa.u1 $0x1  }
0x4e: {  	[sflag:s31] =	ssyncpa.u1 $0x1  }
0x4f: {  	p0 =	sne.s32 s0, $0x0;
	_ =	strace $0x9000004A  }
0x50: {  	s0 =	sadd.s32 @!p0 $0x100000, s1;
	[bflag:$0x2] =	sbarrier.arrive $0xFFFF  }
0x51: {  	[sflag:s0] =	ssyncadd.tile.s32 @!p0 $0x1;
	_ =	shalt  }
.Lfunc_end1:
_tile_overlayer_lowered:
.L_overlay_start_2:
0x52: {  	(tag) =	ssettag $0x2  }
0x53: {  	s0 =	rddreg [dreg:$0x0];
	s2 =	stileid.u32  }
0x54: {  	s1 =	rddreg [dreg:$0x1];
	p0 =	sne.s32 s2, $0x0  }
0x55: {  	s3 =	rddreg [dreg:$0x2];
	[bflag:$0x3] =	sbarrier.arrive $0xFFFF;
	s2 =	simm.s32 @!p0 $0x1C01  }
0x56: {  	[timem:s3], [sflag:s2] =	dma.local @!p0 [hbm:s0], s1  }
0x57: {  	s0 =	simm.s32 @!p0 $0x1  }
0x58: {  	_ =	swait.ge @!p0 [sflag:s0], s1  }
0x59: {  	s1 =	ssub.s32 @!p0 $0x0, s1;
	[sflag:s0] =	ssyncset.done @!p0 $0x0  }
0x5a: {  	[sflag:s0] =	ssyncadd.s32 @!p0 s1  }
0x5b: {  	[bflag:$0x3] =	sbarrier.arrive $0xFFFF  }
0x5c: {  	_ =	shalt  }

</sc_bundles>
